<compile_context>
chip_gen: v7x
topology: tpu7x:2x2x1
jax: 0.10.2.dev20260603
libtpu: 0.0.44.dev20260713+nightly
codegen_flags: <defaults>
</compile_context>

<pallas_src>
import jax
import jax.numpy as jnp
from jax import lax
from jax.experimental import pallas as pl
from jax.experimental.pallas import tpu as pltpu, tpu_sc as plsc

N = 10000
E = 160000
D = 256
DE = 16
H = 512

NC, NS = 2, 16
NW = NC * NS
EPW = E // NW
GCH = 96


def _pack_pairs(v):
    bits = lax.bitcast_convert_type(
        v.astype(jnp.bfloat16).astype(jnp.float32), jnp.int32)
    lo = lax.shift_right_logical(bits[:, :H // 2], 16)
    hi = jnp.bitwise_and(bits[:, H // 2:], jnp.int32(-65536))
    return lax.bitcast_convert_type(jnp.bitwise_or(hi, lo), jnp.float32)


def _mm1_body(x_ref, wr_ref, wc_ref, b_ref, pr_ref, pc_ref):
    xb = x_ref[...]
    pr = jnp.dot(xb, wr_ref[...], preferred_element_type=jnp.float32) + b_ref[...]
    pc = jnp.dot(xb, wc_ref[...], preferred_element_type=jnp.float32)
    pr_ref[...] = _pack_pairs(pr)
    pc_ref[...] = _pack_pairs(pc)


def _precompute_tables(x, w_r, w_c, b1):
    blk = 2000
    grid = (N // blk,)
    return pl.pallas_call(
        _mm1_body,
        grid=grid,
        in_specs=[
            pl.BlockSpec((blk, D), lambda i: (i, 0)),
            pl.BlockSpec((D, H), lambda i: (0, 0)),
            pl.BlockSpec((D, H), lambda i: (0, 0)),
            pl.BlockSpec((1, H), lambda i: (0, 0)),
        ],
        out_specs=[
            pl.BlockSpec((blk, H // 2), lambda i: (i, 0)),
            pl.BlockSpec((blk, H // 2), lambda i: (i, 0)),
        ],
        out_shape=[
            jax.ShapeDtypeStruct((N, H // 2), jnp.float32),
            jax.ShapeDtypeStruct((N, H // 2), jnp.float32),
        ],
    )(x, w_r, w_c, b1.reshape(1, H))


GTAIL = EPW - (EPW // GCH) * GCH


def _gather_body(pr_hbm, pc_hbm, row_hbm, col_hbm, out_hbm,
                 idx_r, idx_c, gr, gc, sem):
    wid = lax.axis_index("s") * NC + lax.axis_index("c")
    base = wid * EPW
    pltpu.sync_copy(row_hbm.at[pl.ds(base, EPW)], idx_r)
    pltpu.sync_copy(col_hbm.at[pl.ds(base, EPW)], idx_c)

    def do_chunk(o, rows):
        dr = gr.at[pl.ds(0, rows)]
        dc = gc.at[pl.ds(0, rows)]
        pltpu.async_copy(pr_hbm.at[idx_r.at[pl.ds(o, rows)]], dr, sem)
        pltpu.async_copy(pc_hbm.at[idx_c.at[pl.ds(o, rows)]], dc, sem).wait()
        pltpu.make_async_copy(pr_hbm.at[idx_r.at[pl.ds(o, rows)]], dr,
                              sem).wait()

        def add_row(e, _):
            for kk in range(0, H // 2, 16):
                sl = pl.ds(kk, 16)
                ss = (plsc.bitcast(gr[e, sl], jnp.bfloat16)
                      + plsc.bitcast(gc[e, sl], jnp.bfloat16))
                gr[e, sl] = plsc.bitcast(ss, jnp.float32)
            return 0

        lax.fori_loop(0, rows, add_row, 0)
        pltpu.sync_copy(dr, out_hbm.at[pl.ds(base + o, rows)])

    def chunk(i, _):
        do_chunk(i * GCH, GCH)
        return 0

    lax.fori_loop(0, EPW // GCH, chunk, 0)
    if GTAIL:
        do_chunk((EPW // GCH) * GCH, GTAIL)


def _gather_add(p_r, p_c, row, col):
    mesh = plsc.VectorSubcoreMesh(core_axis_name="c", subcore_axis_name="s")
    return pl.kernel(
        _gather_body,
        out_type=jax.ShapeDtypeStruct((E, H // 2), jnp.float32),
        mesh=mesh,
        compiler_params=pltpu.CompilerParams(needs_layout_passes=False),
        scratch_types=[
            pltpu.VMEM((EPW,), jnp.int32),
            pltpu.VMEM((EPW,), jnp.int32),
            pltpu.VMEM((GCH, H // 2), jnp.float32),
            pltpu.VMEM((GCH, H // 2), jnp.float32),
            pltpu.SemaphoreType.DMA,
        ],
    )(p_r, p_c, row, col)


def _edge_body(g_ref, ea_ref, wa_ref, w2_ref, b2_ref, emb_ref):
    a = jnp.dot(ea_ref[...].astype(jnp.bfloat16), wa_ref[...].astype(jnp.bfloat16),
                preferred_element_type=jnp.float32)
    u = lax.bitcast_convert_type(g_ref[...], jnp.int32)
    g_lo = lax.bitcast_convert_type(jnp.left_shift(u, 16), jnp.float32)
    g_hi = lax.bitcast_convert_type(
        jnp.bitwise_and(u, jnp.int32(-65536)), jnp.float32)
    g = jnp.concatenate([g_lo, g_hi], axis=1)
    h = jax.nn.relu(g + a)
    emb_ref[...] = jnp.dot(h.astype(jnp.bfloat16), w2_ref[...].astype(jnp.bfloat16),
                           preferred_element_type=jnp.float32) + b2_ref[...]


def _edge_mlp(g, edge_attr, w_a, w2, b2):
    blk = 2000
    return pl.pallas_call(
        _edge_body,
        grid=(E // blk,),
        in_specs=[
            pl.BlockSpec((blk, H // 2), lambda i: (i, 0)),
            pl.BlockSpec((blk, DE), lambda i: (i, 0)),
            pl.BlockSpec((DE, H), lambda i: (0, 0)),
            pl.BlockSpec((H, DE), lambda i: (0, 0)),
            pl.BlockSpec((1, DE), lambda i: (0, 0)),
        ],
        out_specs=pl.BlockSpec((blk, DE), lambda i: (i, 0)),
        out_shape=jax.ShapeDtypeStruct((E, DE), jnp.float32),
    )(g, edge_attr, w_a, w2, b2.reshape(1, DE))


NPASS = 2
NPN = N // NPASS
APP = NPN * DE
SCH = 200
EPWP = EPW + 8


def _scatter_body(emb_hbm, sidx_hbm, cidx_hbm, outs_hbm, outc_hbm,
                  emb_v, idx_v, cidx_v, acc, acc_c, sem):
    wid = lax.axis_index("s") * NC + lax.axis_index("c")
    base = wid * EPW

    pltpu.sync_copy(cidx_hbm.at[pl.ds(wid * EPWP, EPWP)], cidx_v)
    ones16 = jnp.full((16,), 1.0, jnp.float32)

    for p in range(NPASS):
        def zero(i, _):
            acc[pl.ds(i * 16, 16)] = jnp.zeros((16,), jnp.float32)
            return 0

        lax.fori_loop(0, (APP + 16) // 16, zero, 0)

        def zero_c(i, _):
            acc_c[pl.ds(i * 16, 16)] = jnp.zeros((16,), jnp.float32)
            return 0

        lax.fori_loop(0, (NPN + 16) // 16, zero_c, 0)

        def chunk(i, _):
            off = (base + i * SCH) * DE
            pltpu.sync_copy(emb_hbm.at[pl.ds(off, SCH * DE)], emb_v)
            pltpu.sync_copy(sidx_hbm.at[pl.ds(p * E * DE + off, SCH * DE)],
                            idx_v)

            def edge(e4, _):
                for j in range(4):
                    o = pl.ds((e4 * 4 + j) * DE, 16)
                    plsc.addupdate_scatter(acc, [idx_v[o]], emb_v[o])
                return 0

            lax.fori_loop(0, SCH // 4, edge, 0)
            return 0

        lax.fori_loop(0, EPW // SCH, chunk, 0)

        def cgrp(i, _):
            cidx = cidx_v[pl.ds(i * 16, 16)] - p * NPN
            m = plsc.bitcast(cidx, jnp.uint32) < NPN
            cidx = jnp.where(m, cidx, NPN + lax.iota(jnp.int32, 16))
            plsc.addupdate_scatter(acc_c, [cidx], ones16)
            return 0

        lax.fori_loop(0, EPWP // 16, cgrp, 0)

        lo = p * APP
        pltpu.sync_copy(acc.at[pl.ds(0, APP)],
                        outs_hbm.at[pl.ds(wid * (N * DE) + lo, APP)])
        pltpu.sync_copy(acc_c.at[pl.ds(0, NPN)],
                        outc_hbm.at[pl.ds(wid * N + p * NPN, NPN)])


def _segment_sums(emb, sidx, cidx):
    mesh = plsc.VectorSubcoreMesh(core_axis_name="c", subcore_axis_name="s")
    return pl.kernel(
        _scatter_body,
        out_type=[jax.ShapeDtypeStruct((NW * N * DE,), jnp.float32),
                  jax.ShapeDtypeStruct((NW * N,), jnp.float32)],
        mesh=mesh,
        compiler_params=pltpu.CompilerParams(needs_layout_passes=False),
        scratch_types=[
            pltpu.VMEM((SCH * DE,), jnp.float32),
            pltpu.VMEM((SCH * DE,), jnp.int32),
            pltpu.VMEM((EPWP,), jnp.int32),
            pltpu.VMEM((APP + 16,), jnp.float32),
            pltpu.VMEM((NPN + 16,), jnp.float32),
            pltpu.SemaphoreType.DMA,
        ],
    )(emb, sidx, cidx)


def _rsum_body(p_ref, o_ref):
    o_ref[...] = jnp.sum(p_ref[...], axis=0)


def _reduce_sums(parts):
    return pl.pallas_call(
        _rsum_body,
        in_specs=[pl.BlockSpec((NW, N * DE), lambda: (0, 0))],
        out_specs=pl.BlockSpec((N * DE,), lambda: (0,)),
        out_shape=jax.ShapeDtypeStruct((N * DE,), jnp.float32),
    )(parts)


def _rcnt_body(p_ref, o_ref):
    o_ref[...] = jnp.sum(p_ref[...], axis=0)[:, None]


def _reduce_counts(parts):
    return pl.pallas_call(
        _rcnt_body,
        in_specs=[pl.BlockSpec((NW, N), lambda: (0, 0))],
        out_specs=pl.BlockSpec((N, 1), lambda: (0, 0)),
        out_shape=jax.ShapeDtypeStruct((N, 1), jnp.float32),
    )(parts)


def _node_body(x_ref, ps_ref, pc_ref, w1x_ref, w1a_ref, b1_ref, w2_ref,
               b2_ref, o_ref):
    sums = ps_ref[...]
    cnts = pc_ref[...]
    agg = sums / jnp.maximum(cnts, 1.0)
    h = jax.nn.relu(
        jnp.dot(x_ref[...], w1x_ref[...], preferred_element_type=jnp.float32)
        + jnp.dot(agg, w1a_ref[...], preferred_element_type=jnp.float32)
        + b1_ref[...])
    o_ref[...] = jnp.dot(h, w2_ref[...], preferred_element_type=jnp.float32) + b2_ref[...]


def _node_mlp(x, parts_s, parts_c, w1x, w1a, b1, w2, b2):
    blk = 1000
    return pl.pallas_call(
        _node_body,
        grid=(N // blk,),
        in_specs=[
            pl.BlockSpec((blk, D), lambda i: (i, 0)),
            pl.BlockSpec((blk, DE), lambda i: (i, 0)),
            pl.BlockSpec((blk, 1), lambda i: (i, 0)),
            pl.BlockSpec((D, H), lambda i: (0, 0)),
            pl.BlockSpec((DE, H), lambda i: (0, 0)),
            pl.BlockSpec((1, H), lambda i: (0, 0)),
            pl.BlockSpec((H, D), lambda i: (0, 0)),
            pl.BlockSpec((1, D), lambda i: (0, 0)),
        ],
        out_specs=pl.BlockSpec((blk, D), lambda i: (i, 0)),
        out_shape=jax.ShapeDtypeStruct((N, D), jnp.float32),
    )(x, parts_s, parts_c, w1x, w1a, b1.reshape(1, H), w2, b2.reshape(1, D))


@jax.jit
def kernel(x, edge_index, edge_attr, W1_e, b1_e, W2_e, b2_e,
           W1_n, b1_n, W2_n, b2_n):
    x = x.astype(jnp.float32)
    edge_attr = edge_attr.astype(jnp.float32)
    row = edge_index[0]
    col = edge_index[1]
    w_r = W1_e[:D]
    w_c = W1_e[D:2 * D]
    w_a = W1_e[2 * D:]

    iota16 = jnp.arange(DE, dtype=jnp.int32)
    sidx = jnp.stack([
        jnp.where((row >= p * NPN) & (row < (p + 1) * NPN),
                  (row - p * NPN) * DE, APP)[:, None] + iota16[None, :]
        for p in range(NPASS)
    ]).reshape(NPASS * E * DE)
    cidx = jnp.pad(row.reshape(NW, EPW), ((0, 0), (0, EPWP - EPW)),
                   constant_values=N).reshape(NW * EPWP)

    perm = jnp.concatenate([jnp.arange(0, H, 2), jnp.arange(1, H, 2)])
    p_r, p_c = _precompute_tables(x, w_r[:, perm], w_c[:, perm], b1_e[perm])
    g = _gather_add(p_r, p_c, row, col)
    emb = _edge_mlp(g, edge_attr, w_a[:, perm], W2_e[perm, :], b2_e)
    parts_s, parts_c = _segment_sums(emb.reshape(E * DE), sidx, cidx)
    sums = _reduce_sums(parts_s.reshape(NW, N * DE)).reshape(N, DE)
    cnts = _reduce_counts(parts_c.reshape(NW, N))
    node = _node_mlp(x, sums, cnts,
                     W1_n[:D], W1_n[D:], b1_n, W2_n, b2_n)
    return emb, node

# --- scband reference (transcript-rebuilt; emitter-appended) ---
"""Pipeline reference for scband-graph-net-4733053960805 (READ-ONLY COPY).

The authoritative reference and input builder live on the scoring server;
editing this copy changes nothing except your own understanding.
"""

import jax, jax.numpy as jnp
import numpy as np

N = 10000
E = 160000
D = 256   # node_features
DE = 16   # edge_features
H = 512   # hidden sizes


def setup_inputs(seed: int = 0) -> dict:
    key = jax.random.key(seed)
    ks = jax.random.split(key, 12)
    x = jax.random.normal(ks[0], (N, D), dtype=jnp.float32)
    edge_index = jax.random.randint(ks[1], (2, E), 0, N, dtype=jnp.int32)
    edge_attr = jax.random.normal(ks[2], (E, DE), dtype=jnp.float32)
    # edge_block MLP: [2*D + DE, H, DE] with ReLU between
    in_e = 2 * D + DE
    W1_e = jax.random.normal(ks[3], (in_e, H), dtype=jnp.float32) * (1.0 / np.sqrt(in_e))
    b1_e = jnp.zeros((H,), dtype=jnp.float32)
    W2_e = jax.random.normal(ks[4], (H, DE), dtype=jnp.float32) * (1.0 / np.sqrt(H))
    b2_e = jnp.zeros((DE,), dtype=jnp.float32)
    # node_block MLP: [D + DE, H, D] with ReLU between
    in_n = D + DE
    W1_n = jax.random.normal(ks[5], (in_n, H), dtype=jnp.float32) * (1.0 / np.sqrt(in_n))
    b1_n = jnp.zeros((H,), dtype=jnp.float32)
    W2_n = jax.random.normal(ks[6], (H, D), dtype=jnp.float32) * (1.0 / np.sqrt(H))
    b2_n = jnp.zeros((D,), dtype=jnp.float32)
    return {
        "x": x, "edge_index": edge_index, "edge_attr": edge_attr,
        "W1_e": W1_e, "b1_e": b1_e, "W2_e": W2_e, "b2_e": b2_e,
        "W1_n": W1_n, "b1_n": b1_n, "W2_n": W2_n, "b2_n": b2_n,
    }


def reference(x, edge_index, edge_attr, W1_e, b1_e, W2_e, b2_e, W1_n, b1_n, W2_n, b2_n):
    row = edge_index[0]
    col = edge_index[1]
    x = x.astype(jnp.float32)
    edge_attr = edge_attr.astype(jnp.float32)
    # edge block: MLP(cat[x[row], x[col], edge_attr])
    e_in = jnp.concatenate([jnp.take(x, row, axis=0), jnp.take(x, col, axis=0), edge_attr], axis=1)
    h_e = jax.nn.relu(e_in @ W1_e + b1_e)
    edge_embedding = h_e @ W2_e + b2_e
    # mean aggregation by row index (dim_size = N)
    sums = jax.ops.segment_sum(edge_embedding, row, num_segments=N)
    counts = jax.ops.segment_sum(jnp.ones((E, 1), dtype=jnp.float32), row, num_segments=N)
    aggregation = sums / jnp.maximum(counts, 1.0)
    # node block: MLP(cat[x, aggregation])
    agg_features = jnp.concatenate([x, aggregation], axis=1)
    h_n = jax.nn.relu(agg_features @ W1_n + b1_n)
    node_embeddings = h_n @ W2_n + b2_n
    return (edge_embedding, node_embeddings)

if __name__ == "__main__":
    import jax
    _d = setup_inputs()
    print(jax.jit(kernel)(*tuple(_d.values())))

</pallas_src>

<mosaic_0001>
#map = affine_map<(d0, d1) -> (0, 0)>
#map1 = affine_map<(d0, d1) -> (0)>
module attributes {stable_mosaic.version = 14 : i64} {
  func.func @_gather_body(%arg0: i32, %arg1: i32, %arg2: memref<10000x256xf32, #tpu.memory_space<hbm>>, %arg3: memref<10000x256xf32, #tpu.memory_space<hbm>>, %arg4: memref<160000xi32, #tpu.memory_space<hbm>>, %arg5: memref<160000xi32, #tpu.memory_space<hbm>>, %arg6: memref<160000x256xf32, #tpu.memory_space<hbm>>, %arg7: memref<5000xi32, #tpu.memory_space<vmem>>, %arg8: memref<5000xi32, #tpu.memory_space<vmem>>, %arg9: memref<96x256xf32, #tpu.memory_space<vmem>>, %arg10: memref<96x256xf32, #tpu.memory_space<vmem>>, %arg11: memref<!tpu.dma_semaphore, #tpu.memory_space<semaphore_mem>>) attributes {dimension_semantics = [#tpu.dimension_semantics<core_parallel>, #tpu.dimension_semantics<subcore_parallel>], iteration_bounds = array<i64: 2, 16>, scalar_prefetch = 0 : i64, scratch_operands = 5 : i64, tpu.core_type = #tpu.core_type<sc_vector_subcore>, window_params = [{transform_indices = #map}, {transform_indices = #map}, {transform_indices = #map1}, {transform_indices = #map1}, {transform_indices = #map}]} {
    %mul3A = arith.constant 2 : i32
    %mul3A_0 = arith.muli %arg1, %mul3A : i32
    %add3A = arith.addi %mul3A_0, %arg0 : i32
    %mul3A_1 = arith.constant 5000 : i32
    %mul3A_2 = arith.muli %add3A, %mul3A_1 : i32
    "tpu.region"() ({
      %run_scoped3A = tpu.sem_alloc : memref<!tpu.dma_semaphore, #tpu.memory_space<semaphore_mem>>
      %dma_start3A_48 = tpu.memref_slice %arg4[%mul3A_2] : memref<160000xi32, #tpu.memory_space<hbm>> -> memref<5000xi32, #tpu.memory_space<hbm>>
      %dma_start3A_49 = tpu.memref_slice %arg4[%mul3A_2] : memref<160000xi32, #tpu.memory_space<hbm>> -> memref<5000xi32, #tpu.memory_space<hbm>>
      tpu.enqueue_dma source(%dma_start3A_49 : memref<5000xi32, #tpu.memory_space<hbm>>) target(%arg7 : memref<5000xi32, #tpu.memory_space<vmem>>) target_semaphore(%run_scoped3A : memref<!tpu.dma_semaphore, #tpu.memory_space<semaphore_mem>>)
      %dma_wait3A_50 = tpu.memref_slice %arg4[%mul3A_2] : memref<160000xi32, #tpu.memory_space<hbm>> -> memref<5000xi32, #tpu.memory_space<hbm>>
      %dma_wait3A_51 = tpu.memref_slice %arg4[%mul3A_2] : memref<160000xi32, #tpu.memory_space<hbm>> -> memref<5000xi32, #tpu.memory_space<hbm>>
      tpu.wait_dma2 semaphore(%run_scoped3A : memref<!tpu.dma_semaphore, #tpu.memory_space<semaphore_mem>>) src(%dma_wait3A_51 : memref<5000xi32, #tpu.memory_space<hbm>>) dst(%arg7 : memref<5000xi32, #tpu.memory_space<vmem>>)
      tpu.yield
    }) : () -> ()
    "tpu.region"() ({
      %run_scoped3A = tpu.sem_alloc : memref<!tpu.dma_semaphore, #tpu.memory_space<semaphore_mem>>
      %dma_start3A_48 = tpu.memref_slice %arg5[%mul3A_2] : memref<160000xi32, #tpu.memory_space<hbm>> -> memref<5000xi32, #tpu.memory_space<hbm>>
      %dma_start3A_49 = tpu.memref_slice %arg5[%mul3A_2] : memref<160000xi32, #tpu.memory_space<hbm>> -> memref<5000xi32, #tpu.memory_space<hbm>>
      tpu.enqueue_dma source(%dma_start3A_49 : memref<5000xi32, #tpu.memory_space<hbm>>) target(%arg8 : memref<5000xi32, #tpu.memory_space<vmem>>) target_semaphore(%run_scoped3A : memref<!tpu.dma_semaphore, #tpu.memory_space<semaphore_mem>>)
      %dma_wait3A_50 = tpu.memref_slice %arg5[%mul3A_2] : memref<160000xi32, #tpu.memory_space<hbm>> -> memref<5000xi32, #tpu.memory_space<hbm>>
      %dma_wait3A_51 = tpu.memref_slice %arg5[%mul3A_2] : memref<160000xi32, #tpu.memory_space<hbm>> -> memref<5000xi32, #tpu.memory_space<hbm>>
      tpu.wait_dma2 semaphore(%run_scoped3A : memref<!tpu.dma_semaphore, #tpu.memory_space<semaphore_mem>>) src(%dma_wait3A_51 : memref<5000xi32, #tpu.memory_space<hbm>>) dst(%arg8 : memref<5000xi32, #tpu.memory_space<vmem>>)
      tpu.yield
    }) : () -> ()
    %scan3A = arith.constant 0 : i32
    %scan3A_3 = arith.constant 0 : i32
    %scan3A_4 = arith.constant 52 : i32
    %scan3A_5 = arith.addi %scan3A_3, %scan3A_4 : i32
    %scan3A_6 = arith.constant 1 : i32
    %scan3A_7 = scf.for %scan3A_48 = %scan3A_3 to %scan3A_5 step %scan3A_6 iter_args(%scan3A_49 = %scan3A) -> (i32)  : i32 {
      %mul3A_50 = arith.constant 96 : i32
      %mul3A_51 = arith.muli %scan3A_48, %mul3A_50 : i32
      %dma_start3A_52 = arith.constant 0 : i32
      %dma_start3A_53 = arith.constant 0 : i32
      %dma_start3A_54 = tpu.memref_slice %arg9[%dma_start3A_52, %dma_start3A_53] : memref<96x256xf32, #tpu.memory_space<vmem>> -> memref<96x256xf32, #tpu.memory_space<vmem>>
      %dma_start3A_55 = tpu.memref_slice %arg7[%mul3A_51] : memref<5000xi32, #tpu.memory_space<vmem>> -> memref<96xi32, #tpu.memory_space<vmem>>
      %dma_start3A_56 = arith.constant 0 : i32
      %dma_start3A_57 = arith.constant 0 : i32
      %dma_start3A_58 = tpu.memref_slice %arg2[%dma_start3A_56, %dma_start3A_57] : memref<10000x256xf32, #tpu.memory_space<hbm>> -> memref<10000x256xf32, #tpu.memory_space<hbm>>
      tpu.enqueue_indirect_dma source(%dma_start3A_58 : memref<10000x256xf32, #tpu.memory_space<hbm>>) target(%dma_start3A_54 : memref<96x256xf32, #tpu.memory_space<vmem>>) offsets(%dma_start3A_55 : memref<96xi32, #tpu.memory_space<vmem>>) semaphore(%arg11 : memref<!tpu.dma_semaphore, #tpu.memory_space<semaphore_mem>>)
      %dma_start3A_59 = arith.constant 0 : i32
      %dma_start3A_60 = arith.constant 0 : i32
      %dma_start3A_61 = tpu.memref_slice %arg10[%dma_start3A_59, %dma_start3A_60] : memref<96x256xf32, #tpu.memory_space<vmem>> -> memref<96x256xf32, #tpu.memory_space<vmem>>
      %dma_start3A_62 = tpu.memref_slice %arg8[%mul3A_51] : memref<5000xi32, #tpu.memory_space<vmem>> -> memref<96xi32, #tpu.memory_space<vmem>>
      %dma_start3A_63 = arith.constant 0 : i32
      %dma_start3A_64 = arith.constant 0 : i32
      %dma_start3A_65 = tpu.memref_slice %arg3[%dma_start3A_63, %dma_start3A_64] : memref<10000x256xf32, #tpu.memory_space<hbm>> -> memref<10000x256xf32, #tpu.memory_space<hbm>>
      tpu.enqueue_indirect_dma source(%dma_start3A_65 : memref<10000x256xf32, #tpu.memory_space<hbm>>) target(%dma_start3A_61 : memref<96x256xf32, #tpu.memory_space<vmem>>) offsets(%dma_start3A_62 : memref<96xi32, #tpu.memory_space<vmem>>) semaphore(%arg11 : memref<!tpu.dma_semaphore, #tpu.memory_space<semaphore_mem>>)
      %dma_wait3A_66 = arith.constant 0 : i32
      %dma_wait3A_67 = arith.constant 0 : i32
      %dma_wait3A_68 = tpu.memref_slice %arg10[%dma_wait3A_66, %dma_wait3A_67] : memref<96x256xf32, #tpu.memory_space<vmem>> -> memref<96x256xf32, #tpu.memory_space<vmem>>
      %dma_wait3A_69 = tpu.memref_slice %arg8[%mul3A_51] : memref<5000xi32, #tpu.memory_space<vmem>> -> memref<96xi32, #tpu.memory_space<vmem>>
      %dma_wait3A_70 = arith.constant 0 : i32
      %dma_wait3A_71 = arith.constant 0 : i32
      %dma_wait3A_72 = tpu.memref_slice %arg3[%dma_wait3A_70, %dma_wait3A_71] : memref<10000x256xf32, #tpu.memory_space<hbm>> -> memref<10000x256xf32, #tpu.memory_space<hbm>>
      tpu.wait_indirect_dma semaphore(%arg11 : memref<!tpu.dma_semaphore, #tpu.memory_space<semaphore_mem>>) src(%dma_wait3A_72 : memref<10000x256xf32, #tpu.memory_space<hbm>>) dst(%dma_wait3A_68 : memref<96x256xf32, #tpu.memory_space<vmem>>)
      %dma_wait3A_73 = arith.constant 0 : i32
      %dma_wait3A_74 = arith.constant 0 : i32
      %dma_wait3A_75 = tpu.memref_slice %arg9[%dma_wait3A_73, %dma_wait3A_74] : memref<96x256xf32, #tpu.memory_space<vmem>> -> memref<96x256xf32, #tpu.memory_space<vmem>>
      %dma_wait3A_76 = tpu.memref_slice %arg7[%mul3A_51] : memref<5000xi32, #tpu.memory_space<vmem>> -> memref<96xi32, #tpu.memory_space<vmem>>
      %dma_wait3A_77 = arith.constant 0 : i32
      %dma_wait3A_78 = arith.constant 0 : i32
      %dma_wait3A_79 = tpu.memref_slice %arg2[%dma_wait3A_77, %dma_wait3A_78] : memref<10000x256xf32, #tpu.memory_space<hbm>> -> memref<10000x256xf32, #tpu.memory_space<hbm>>
      tpu.wait_indirect_dma semaphore(%arg11 : memref<!tpu.dma_semaphore, #tpu.memory_space<semaphore_mem>>) src(%dma_wait3A_79 : memref<10000x256xf32, #tpu.memory_space<hbm>>) dst(%dma_wait3A_75 : memref<96x256xf32, #tpu.memory_space<vmem>>)
      %scan3A_80 = arith.constant 0 : i32
      %scan3A_81 = arith.constant 0 : i32
      %scan3A_82 = arith.constant 96 : i32
      %scan3A_83 = arith.addi %scan3A_81, %scan3A_82 : i32
      %scan3A_84 = arith.constant 1 : i32
      %scan3A_85 = scf.for %scan3A_89 = %scan3A_81 to %scan3A_83 step %scan3A_84 iter_args(%scan3A_90 = %scan3A_80) -> (i32)  : i32 {
        %get3A = arith.index_cast %scan3A_89 : i32 to index
        %get3A_91 = arith.constant 0 : index
        %get3A_92 = tpu.vector_load %arg9[%get3A, %get3A_91] {strides = array<i32>} : memref<96x256xf32, #tpu.memory_space<vmem>>, vector<16xf32>,
        %bitcast3A = vector.bitcast %get3A_92 : vector<16xf32> to vector<32xbf16>
        %get3A_93 = arith.index_cast %scan3A_89 : i32 to index
        %get3A_94 = arith.constant 0 : index
        %get3A_95 = tpu.vector_load %arg10[%get3A_93, %get3A_94] {strides = array<i32>} : memref<96x256xf32, #tpu.memory_space<vmem>>, vector<16xf32>,
        %bitcast3A_96 = vector.bitcast %get3A_95 : vector<16xf32> to vector<32xbf16>
        %add3A_97 = arith.addf %bitcast3A, %bitcast3A_96 : vector<32xbf16>
        %bitcast3A_98 = vector.bitcast %add3A_97 : vector<32xbf16> to vector<16xf32>
        %swap3A = arith.index_cast %scan3A_89 : i32 to index
        %swap3A_99 = arith.constant 0 : index
        %swap3A_100 = tpu.vector_load %arg9[%swap3A, %swap3A_99] {strides = array<i32>} : memref<96x256xf32, #tpu.memory_space<vmem>>, vector<16xf32>,
        tpu.vector_store %arg9[%swap3A, %swap3A_99], %bitcast3A_98 {strides = array<i32>} : memref<96x256xf32, #tpu.memory_space<vmem>>, vector<16xf32>,
        %get3A_101 = arith.index_cast %scan3A_89 : i32 to index
        %get3A_102 = arith.constant 16 : index
        %get3A_103 = tpu.vector_load %arg9[%get3A_101, %get3A_102] {strides = array<i32>} : memref<96x256xf32, #tpu.memory_space<vmem>>, vector<16xf32>,
        %bitcast3A_104 = vector.bitcast %get3A_103 : vector<16xf32> to vector<32xbf16>
        %get3A_105 = arith.index_cast %scan3A_89 : i32 to index
        %get3A_106 = arith.constant 16 : index
        %get3A_107 = tpu.vector_load %arg10[%get3A_105, %get3A_106] {strides = array<i32>} : memref<96x256xf32, #tpu.memory_space<vmem>>, vector<16xf32>,
        %bitcast3A_108 = vector.bitcast %get3A_107 : vector<16xf32> to vector<32xbf16>
        %add3A_109 = arith.addf %bitcast3A_104, %bitcast3A_108 : vector<32xbf16>
        %bitcast3A_110 = vector.bitcast %add3A_109 : vector<32xbf16> to vector<16xf32>
        %swap3A_111 = arith.index_cast %scan3A_89 : i32 to index
        %swap3A_112 = arith.constant 16 : index
        %swap3A_113 = tpu.vector_load %arg9[%swap3A_111, %swap3A_112] {strides = array<i32>} : memref<96x256xf32, #tpu.memory_space<vmem>>, vector<16xf32>,
        tpu.vector_store %arg9[%swap3A_111, %swap3A_112], %bitcast3A_110 {strides = array<i32>} : memref<96x256xf32, #tpu.memory_space<vmem>>, vector<16xf32>,
        %get3A_114 = arith.index_cast %scan3A_89 : i32 to index
        %get3A_115 = arith.constant 32 : index
        %get3A_116 = tpu.vector_load %arg9[%get3A_114, %get3A_115] {strides = array<i32>} : memref<96x256xf32, #tpu.memory_space<vmem>>, vector<16xf32>,
        %bitcast3A_117 = vector.bitcast %get3A_116 : vector<16xf32> to vector<32xbf16>
        %get3A_118 = arith.index_cast %scan3A_89 : i32 to index
        %get3A_119 = arith.constant 32 : index
        %get3A_120 = tpu.vector_load %arg10[%get3A_118, %get3A_119] {strides = array<i32>} : memref<96x256xf32, #tpu.memory_space<vmem>>, vector<16xf32>,
        %bitcast3A_121 = vector.bitcast %get3A_120 : vector<16xf32> to vector<32xbf16>
        %add3A_122 = arith.addf %bitcast3A_117, %bitcast3A_121 : vector<32xbf16>
        %bitcast3A_123 = vector.bitcast %add3A_122 : vector<32xbf16> to vector<16xf32>
        %swap3A_124 = arith.index_cast %scan3A_89 : i32 to index
        %swap3A_125 = arith.constant 32 : index
        %swap3A_126 = tpu.vector_load %arg9[%swap3A_124, %swap3A_125] {strides = array<i32>} : memref<96x256xf32, #tpu.memory_space<vmem>>, vector<16xf32>,
        tpu.vector_store %arg9[%swap3A_124, %swap3A_125], %bitcast3A_123 {strides = array<i32>} : memref<96x256xf32, #tpu.memory_space<vmem>>, vector<16xf32>,
        %get3A_127 = arith.index_cast %scan3A_89 : i32 to index
        %get3A_128 = arith.constant 48 : index
        %get3A_129 = tpu.vector_load %arg9[%get3A_127, %get3A_128] {strides = array<i32>} : memref<96x256xf32, #tpu.memory_space<vmem>>, vector<16xf32>,
        %bitcast3A_130 = vector.bitcast %get3A_129 : vector<16xf32> to vector<32xbf16>
        %get3A_131 = arith.index_cast %scan3A_89 : i32 to index
        %get3A_132 = arith.constant 48 : index
        %get3A_133 = tpu.vector_load %arg10[%get3A_131, %get3A_132] {strides = array<i32>} : memref<96x256xf32, #tpu.memory_space<vmem>>, vector<16xf32>,
        %bitcast3A_134 = vector.bitcast %get3A_133 : vector<16xf32> to vector<32xbf16>
        %add3A_135 = arith.addf %bitcast3A_130, %bitcast3A_134 : vector<32xbf16>
        %bitcast3A_136 = vector.bitcast %add3A_135 : vector<32xbf16> to vector<16xf32>
        %swap3A_137 = arith.index_cast %scan3A_89 : i32 to index
        %swap3A_138 = arith.constant 48 : index
        %swap3A_139 = tpu.vector_load %arg9[%swap3A_137, %swap3A_138] {strides = array<i32>} : memref<96x256xf32, #tpu.memory_space<vmem>>, vector<16xf32>,
        tpu.vector_store %arg9[%swap3A_137, %swap3A_138], %bitcast3A_136 {strides = array<i32>} : memref<96x256xf32, #tpu.memory_space<vmem>>, vector<16xf32>,
        %get3A_140 = arith.index_cast %scan3A_89 : i32 to index
        %get3A_141 = arith.constant 64 : index
        %get3A_142 = tpu.vector_load %arg9[%get3A_140, %get3A_141] {strides = array<i32>} : memref<96x256xf32, #tpu.memory_space<vmem>>, vector<16xf32>,
        %bitcast3A_143 = vector.bitcast %get3A_142 : vector<16xf32> to vector<32xbf16>
        %get3A_144 = arith.index_cast %scan3A_89 : i32 to index
        %get3A_145 = arith.constant 64 : index
        %get3A_146 = tpu.vector_load %arg10[%get3A_144, %get3A_145] {strides = array<i32>} : memref<96x256xf32, #tpu.memory_space<vmem>>, vector<16xf32>,
        %bitcast3A_147 = vector.bitcast %get3A_146 : vector<16xf32> to vector<32xbf16>
        %add3A_148 = arith.addf %bitcast3A_143, %bitcast3A_147 : vector<32xbf16>
        %bitcast3A_149 = vector.bitcast %add3A_148 : vector<32xbf16> to vector<16xf32>
        %swap3A_150 = arith.index_cast %scan3A_89 : i32 to index
        %swap3A_151 = arith.constant 64 : index
        %swap3A_152 = tpu.vector_load %arg9[%swap3A_150, %swap3A_151] {strides = array<i32>} : memref<96x256xf32, #tpu.memory_space<vmem>>, vector<16xf32>,
        tpu.vector_store %arg9[%swap3A_150, %swap3A_151], %bitcast3A_149 {strides = array<i32>} : memref<96x256xf32, #tpu.memory_space<vmem>>, vector<16xf32>,
        %get3A_153 = arith.index_cast %scan3A_89 : i32 to index
        %get3A_154 = arith.constant 80 : index
        %get3A_155 = tpu.vector_load %arg9[%get3A_153, %get3A_154] {strides = array<i32>} : memref<96x256xf32, #tpu.memory_space<vmem>>, vector<16xf32>,
        %bitcast3A_156 = vector.bitcast %get3A_155 : vector<16xf32> to vector<32xbf16>
        %get3A_157 = arith.index_cast %scan3A_89 : i32 to index
        %get3A_158 = arith.constant 80 : index
        %get3A_159 = tpu.vector_load %arg10[%get3A_157, %get3A_158] {strides = array<i32>} : memref<96x256xf32, #tpu.memory_space<vmem>>, vector<16xf32>,
        %bitcast3A_160 = vector.bitcast %get3A_159 : vector<16xf32> to vector<32xbf16>
        %add3A_161 = arith.addf %bitcast3A_156, %bitcast3A_160 : vector<32xbf16>
        %bitcast3A_162 = vector.bitcast %add3A_161 : vector<32xbf16> to vector<16xf32>
        %swap3A_163 = arith.index_cast %scan3A_89 : i32 to index
        %swap3A_164 = arith.constant 80 : index
        %swap3A_165 = tpu.vector_load %arg9[%swap3A_163, %swap3A_164] {strides = array<i32>} : memref<96x256xf32, #tpu.memory_space<vmem>>, vector<16xf32>,
        tpu.vector_store %arg9[%swap3A_163, %swap3A_164], %bitcast3A_162 {strides = array<i32>} : memref<96x256xf32, #tpu.memory_space<vmem>>, vector<16xf32>,
        %get3A_166 = arith.index_cast %scan3A_89 : i32 to index
        %get3A_167 = arith.constant 96 : index
        %get3A_168 = tpu.vector_load %arg9[%get3A_166, %get3A_167] {strides = array<i32>} : memref<96x256xf32, #tpu.memory_space<vmem>>, vector<16xf32>,
        %bitcast3A_169 = vector.bitcast %get3A_168 : vector<16xf32> to vector<32xbf16>
        %get3A_170 = arith.index_cast %scan3A_89 : i32 to index
        %get3A_171 = arith.constant 96 : index
        %get3A_172 = tpu.vector_load %arg10[%get3A_170, %get3A_171] {strides = array<i32>} : memref<96x256xf32, #tpu.memory_space<vmem>>, vector<16xf32>,
        %bitcast3A_173 = vector.bitcast %get3A_172 : vector<16xf32> to vector<32xbf16>
        %add3A_174 = arith.addf %bitcast3A_169, %bitcast3A_173 : vector<32xbf16>
        %bitcast3A_175 = vector.bitcast %add3A_174 : vector<32xbf16> to vector<16xf32>
        %swap3A_176 = arith.index_cast %scan3A_89 : i32 to index
        %swap3A_177 = arith.constant 96 : index
        %swap3A_178 = tpu.vector_load %arg9[%swap3A_176, %swap3A_177] {strides = array<i32>} : memref<96x256xf32, #tpu.memory_space<vmem>>, vector<16xf32>,
        tpu.vector_store %arg9[%swap3A_176, %swap3A_177], %bitcast3A_175 {strides = array<i32>} : memref<96x256xf32, #tpu.memory_space<vmem>>, vector<16xf32>,
        %get3A_179 = arith.index_cast %scan3A_89 : i32 to index
        %get3A_180 = arith.constant 112 : index
        %get3A_181 = tpu.vector_load %arg9[%get3A_179, %get3A_180] {strides = array<i32>} : memref<96x256xf32, #tpu.memory_space<vmem>>, vector<16xf32>,
        %bitcast3A_182 = vector.bitcast %get3A_181 : vector<16xf32> to vector<32xbf16>
        %get3A_183 = arith.index_cast %scan3A_89 : i32 to index
        %get3A_184 = arith.constant 112 : index
        %get3A_185 = tpu.vector_load %arg10[%get3A_183, %get3A_184] {strides = array<i32>} : memref<96x256xf32, #tpu.memory_space<vmem>>, vector<16xf32>,
        %bitcast3A_186 = vector.bitcast %get3A_185 : vector<16xf32> to vector<32xbf16>
        %add3A_187 = arith.addf %bitcast3A_182, %bitcast3A_186 : vector<32xbf16>
        %bitcast3A_188 = vector.bitcast %add3A_187 : vector<32xbf16> to vector<16xf32>
        %swap3A_189 = arith.index_cast %scan3A_89 : i32 to index
        %swap3A_190 = arith.constant 112 : index
        %swap3A_191 = tpu.vector_load %arg9[%swap3A_189, %swap3A_190] {strides = array<i32>} : memref<96x256xf32, #tpu.memory_space<vmem>>, vector<16xf32>,
        tpu.vector_store %arg9[%swap3A_189, %swap3A_190], %bitcast3A_188 {strides = array<i32>} : memref<96x256xf32, #tpu.memory_space<vmem>>, vector<16xf32>,
        %get3A_192 = arith.index_cast %scan3A_89 : i32 to index
        %get3A_193 = arith.constant 128 : index
        %get3A_194 = tpu.vector_load %arg9[%get3A_192, %get3A_193] {strides = array<i32>} : memref<96x256xf32, #tpu.memory_space<vmem>>, vector<16xf32>,
        %bitcast3A_195 = vector.bitcast %get3A_194 : vector<16xf32> to vector<32xbf16>
        %get3A_196 = arith.index_cast %scan3A_89 : i32 to index
        %get3A_197 = arith.constant 128 : index
        %get3A_198 = tpu.vector_load %arg10[%get3A_196, %get3A_197] {strides = array<i32>} : memref<96x256xf32, #tpu.memory_space<vmem>>, vector<16xf32>,
        %bitcast3A_199 = vector.bitcast %get3A_198 : vector<16xf32> to vector<32xbf16>
        %add3A_200 = arith.addf %bitcast3A_195, %bitcast3A_199 : vector<32xbf16>
        %bitcast3A_201 = vector.bitcast %add3A_200 : vector<32xbf16> to vector<16xf32>
        %swap3A_202 = arith.index_cast %scan3A_89 : i32 to index
        %swap3A_203 = arith.constant 128 : index
        %swap3A_204 = tpu.vector_load %arg9[%swap3A_202, %swap3A_203] {strides = array<i32>} : memref<96x256xf32, #tpu.memory_space<vmem>>, vector<16xf32>,
        tpu.vector_store %arg9[%swap3A_202, %swap3A_203], %bitcast3A_201 {strides = array<i32>} : memref<96x256xf32, #tpu.memory_space<vmem>>, vector<16xf32>,
        %get3A_205 = arith.index_cast %scan3A_89 : i32 to index
        %get3A_206 = arith.constant 144 : index
        %get3A_207 = tpu.vector_load %arg9[%get3A_205, %get3A_206] {strides = array<i32>} : memref<96x256xf32, #tpu.memory_space<vmem>>, vector<16xf32>,
        %bitcast3A_208 = vector.bitcast %get3A_207 : vector<16xf32> to vector<32xbf16>
        %get3A_209 = arith.index_cast %scan3A_89 : i32 to index
        %get3A_210 = arith.constant 144 : index
        %get3A_211 = tpu.vector_load %arg10[%get3A_209, %get3A_210] {strides = array<i32>} : memref<96x256xf32, #tpu.memory_space<vmem>>, vector<16xf32>,
        %bitcast3A_212 = vector.bitcast %get3A_211 : vector<16xf32> to vector<32xbf16>
        %add3A_213 = arith.addf %bitcast3A_208, %bitcast3A_212 : vector<32xbf16>
        %bitcast3A_214 = vector.bitcast %add3A_213 : vector<32xbf16> to vector<16xf32>
        %swap3A_215 = arith.index_cast %scan3A_89 : i32 to index
        %swap3A_216 = arith.constant 144 : index
        %swap3A_217 = tpu.vector_load %arg9[%swap3A_215, %swap3A_216] {strides = array<i32>} : memref<96x256xf32, #tpu.memory_space<vmem>>, vector<16xf32>,
        tpu.vector_store %arg9[%swap3A_215, %swap3A_216], %bitcast3A_214 {strides = array<i32>} : memref<96x256xf32, #tpu.memory_space<vmem>>, vector<16xf32>,
        %get3A_218 = arith.index_cast %scan3A_89 : i32 to index
        %get3A_219 = arith.constant 160 : index
        %get3A_220 = tpu.vector_load %arg9[%get3A_218, %get3A_219] {strides = array<i32>} : memref<96x256xf32, #tpu.memory_space<vmem>>, vector<16xf32>,
        %bitcast3A_221 = vector.bitcast %get3A_220 : vector<16xf32> to vector<32xbf16>
        %get3A_222 = arith.index_cast %scan3A_89 : i32 to index
        %get3A_223 = arith.constant 160 : index
        %get3A_224 = tpu.vector_load %arg10[%get3A_222, %get3A_223] {strides = array<i32>} : memref<96x256xf32, #tpu.memory_space<vmem>>, vector<16xf32>,
        %bitcast3A_225 = vector.bitcast %get3A_224 : vector<16xf32> to vector<32xbf16>
        %add3A_226 = arith.addf %bitcast3A_221, %bitcast3A_225 : vector<32xbf16>
        %bitcast3A_227 = vector.bitcast %add3A_226 : vector<32xbf16> to vector<16xf32>
        %swap3A_228 = arith.index_cast %scan3A_89 : i32 to index
        %swap3A_229 = arith.constant 160 : index
        %swap3A_230 = tpu.vector_load %arg9[%swap3A_228, %swap3A_229] {strides = array<i32>} : memref<96x256xf32, #tpu.memory_space<vmem>>, vector<16xf32>,
        tpu.vector_store %arg9[%swap3A_228, %swap3A_229], %bitcast3A_227 {strides = array<i32>} : memref<96x256xf32, #tpu.memory_space<vmem>>, vector<16xf32>,
        %get3A_231 = arith.index_cast %scan3A_89 : i32 to index
        %get3A_232 = arith.constant 176 : index
        %get3A_233 = tpu.vector_load %arg9[%get3A_231, %get3A_232] {strides = array<i32>} : memref<96x256xf32, #tpu.memory_space<vmem>>, vector<16xf32>,
        %bitcast3A_234 = vector.bitcast %get3A_233 : vector<16xf32> to vector<32xbf16>
        %get3A_235 = arith.index_cast %scan3A_89 : i32 to index
        %get3A_236 = arith.constant 176 : index
        %get3A_237 = tpu.vector_load %arg10[%get3A_235, %get3A_236] {strides = array<i32>} : memref<96x256xf32, #tpu.memory_space<vmem>>, vector<16xf32>,
        %bitcast3A_238 = vector.bitcast %get3A_237 : vector<16xf32> to vector<32xbf16>
        %add3A_239 = arith.addf %bitcast3A_234, %bitcast3A_238 : vector<32xbf16>
        %bitcast3A_240 = vector.bitcast %add3A_239 : vector<32xbf16> to vector<16xf32>
        %swap3A_241 = arith.index_cast %scan3A_89 : i32 to index
        %swap3A_242 = arith.constant 176 : index
        %swap3A_243 = tpu.vector_load %arg9[%swap3A_241, %swap3A_242] {strides = array<i32>} : memref<96x256xf32, #tpu.memory_space<vmem>>, vector<16xf32>,
        tpu.vector_store %arg9[%swap3A_241, %swap3A_242], %bitcast3A_240 {strides = array<i32>} : memref<96x256xf32, #tpu.memory_space<vmem>>, vector<16xf32>,
        %get3A_244 = arith.index_cast %scan3A_89 : i32 to index
        %get3A_245 = arith.constant 192 : index
        %get3A_246 = tpu.vector_load %arg9[%get3A_244, %get3A_245] {strides = array<i32>} : memref<96x256xf32, #tpu.memory_space<vmem>>, vector<16xf32>,
        %bitcast3A_247 = vector.bitcast %get3A_246 : vector<16xf32> to vector<32xbf16>
        %get3A_248 = arith.index_cast %scan3A_89 : i32 to index
        %get3A_249 = arith.constant 192 : index
        %get3A_250 = tpu.vector_load %arg10[%get3A_248, %get3A_249] {strides = array<i32>} : memref<96x256xf32, #tpu.memory_space<vmem>>, vector<16xf32>,
        %bitcast3A_251 = vector.bitcast %get3A_250 : vector<16xf32> to vector<32xbf16>
        %add3A_252 = arith.addf %bitcast3A_247, %bitcast3A_251 : vector<32xbf16>
        %bitcast3A_253 = vector.bitcast %add3A_252 : vector<32xbf16> to vector<16xf32>
        %swap3A_254 = arith.index_cast %scan3A_89 : i32 to index
        %swap3A_255 = arith.constant 192 : index
        %swap3A_256 = tpu.vector_load %arg9[%swap3A_254, %swap3A_255] {strides = array<i32>} : memref<96x256xf32, #tpu.memory_space<vmem>>, vector<16xf32>,
        tpu.vector_store %arg9[%swap3A_254, %swap3A_255], %bitcast3A_253 {strides = array<i32>} : memref<96x256xf32, #tpu.memory_space<vmem>>, vector<16xf32>,
        %get3A_257 = arith.index_cast %scan3A_89 : i32 to index
        %get3A_258 = arith.constant 208 : index
        %get3A_259 = tpu.vector_load %arg9[%get3A_257, %get3A_258] {strides = array<i32>} : memref<96x256xf32, #tpu.memory_space<vmem>>, vector<16xf32>,
        %bitcast3A_260 = vector.bitcast %get3A_259 : vector<16xf32> to vector<32xbf16>
        %get3A_261 = arith.index_cast %scan3A_89 : i32 to index
        %get3A_262 = arith.constant 208 : index
        %get3A_263 = tpu.vector_load %arg10[%get3A_261, %get3A_262] {strides = array<i32>} : memref<96x256xf32, #tpu.memory_space<vmem>>, vector<16xf32>,
        %bitcast3A_264 = vector.bitcast %get3A_263 : vector<16xf32> to vector<32xbf16>
        %add3A_265 = arith.addf %bitcast3A_260, %bitcast3A_264 : vector<32xbf16>
        %bitcast3A_266 = vector.bitcast %add3A_265 : vector<32xbf16> to vector<16xf32>
        %swap3A_267 = arith.index_cast %scan3A_89 : i32 to index
        %swap3A_268 = arith.constant 208 : index
        %swap3A_269 = tpu.vector_load %arg9[%swap3A_267, %swap3A_268] {strides = array<i32>} : memref<96x256xf32, #tpu.memory_space<vmem>>, vector<16xf32>,
        tpu.vector_store %arg9[%swap3A_267, %swap3A_268], %bitcast3A_266 {strides = array<i32>} : memref<96x256xf32, #tpu.memory_space<vmem>>, vector<16xf32>,
        %get3A_270 = arith.index_cast %scan3A_89 : i32 to index
        %get3A_271 = arith.constant 224 : index
        %get3A_272 = tpu.vector_load %arg9[%get3A_270, %get3A_271] {strides = array<i32>} : memref<96x256xf32, #tpu.memory_space<vmem>>, vector<16xf32>,
        %bitcast3A_273 = vector.bitcast %get3A_272 : vector<16xf32> to vector<32xbf16>
        %get3A_274 = arith.index_cast %scan3A_89 : i32 to index
        %get3A_275 = arith.constant 224 : index
        %get3A_276 = tpu.vector_load %arg10[%get3A_274, %get3A_275] {strides = array<i32>} : memref<96x256xf32, #tpu.memory_space<vmem>>, vector<16xf32>,
        %bitcast3A_277 = vector.bitcast %get3A_276 : vector<16xf32> to vector<32xbf16>
        %add3A_278 = arith.addf %bitcast3A_273, %bitcast3A_277 : vector<32xbf16>
        %bitcast3A_279 = vector.bitcast %add3A_278 : vector<32xbf16> to vector<16xf32>
        %swap3A_280 = arith.index_cast %scan3A_89 : i32 to index
        %swap3A_281 = arith.constant 224 : index
        %swap3A_282 = tpu.vector_load %arg9[%swap3A_280, %swap3A_281] {strides = array<i32>} : memref<96x256xf32, #tpu.memory_space<vmem>>, vector<16xf32>,
        tpu.vector_store %arg9[%swap3A_280, %swap3A_281], %bitcast3A_279 {strides = array<i32>} : memref<96x256xf32, #tpu.memory_space<vmem>>, vector<16xf32>,
        %get3A_283 = arith.index_cast %scan3A_89 : i32 to index
        %get3A_284 = arith.constant 240 : index
        %get3A_285 = tpu.vector_load %arg9[%get3A_283, %get3A_284] {strides = array<i32>} : memref<96x256xf32, #tpu.memory_space<vmem>>, vector<16xf32>,
        %bitcast3A_286 = vector.bitcast %get3A_285 : vector<16xf32> to vector<32xbf16>
        %get3A_287 = arith.index_cast %scan3A_89 : i32 to index
        %get3A_288 = arith.constant 240 : index
        %get3A_289 = tpu.vector_load %arg10[%get3A_287, %get3A_288] {strides = array<i32>} : memref<96x256xf32, #tpu.memory_space<vmem>>, vector<16xf32>,
        %bitcast3A_290 = vector.bitcast %get3A_289 : vector<16xf32> to vector<32xbf16>
        %add3A_291 = arith.addf %bitcast3A_286, %bitcast3A_290 : vector<32xbf16>
        %bitcast3A_292 = vector.bitcast %add3A_291 : vector<32xbf16> to vector<16xf32>
        %swap3A_293 = arith.index_cast %scan3A_89 : i32 to index
        %swap3A_294 = arith.constant 240 : index
        %swap3A_295 = tpu.vector_load %arg9[%swap3A_293, %swap3A_294] {strides = array<i32>} : memref<96x256xf32, #tpu.memory_space<vmem>>, vector<16xf32>,
        tpu.vector_store %arg9[%swap3A_293, %swap3A_294], %bitcast3A_292 {strides = array<i32>} : memref<96x256xf32, #tpu.memory_space<vmem>>, vector<16xf32>,
        %scan3A_296 = arith.constant 0 : i32
        scf.yield %scan3A_296 : i32
      }
      %scan3A_86 = arith.constant 96 : i32
      %add3A_87 = arith.addi %mul3A_2, %mul3A_51 : i32
      "tpu.region"() ({
        %run_scoped3A = tpu.sem_alloc : memref<!tpu.dma_semaphore, #tpu.memory_space<semaphore_mem>>
        %dma_start3A_89 = arith.constant 0 : i32
        %dma_start3A_90 = arith.constant 0 : i32
        %dma_start3A_91 = tpu.memref_slice %arg9[%dma_start3A_89, %dma_start3A_90] : memref<96x256xf32, #tpu.memory_space<vmem>> -> memref<96x256xf32, #tpu.memory_space<vmem>>
        %dma_start3A_92 = arith.constant 0 : i32
        %dma_start3A_93 = tpu.memref_slice %arg6[%add3A_87, %dma_start3A_92] : memref<160000x256xf32, #tpu.memory_space<hbm>> -> memref<96x256xf32, #tpu.memory_space<hbm>>
        %dma_start3A_94 = arith.constant 0 : i32
        %dma_start3A_95 = tpu.memref_slice %arg6[%add3A_87, %dma_start3A_94] : memref<160000x256xf32, #tpu.memory_space<hbm>> -> memref<96x256xf32, #tpu.memory_space<hbm>>
        %dma_start3A_96 = arith.constant 0 : i32
        %dma_start3A_97 = arith.constant 0 : i32
        %dma_start3A_98 = tpu.memref_slice %arg9[%dma_start3A_96, %dma_start3A_97] : memref<96x256xf32, #tpu.memory_space<vmem>> -> memref<96x256xf32, #tpu.memory_space<vmem>>
        tpu.enqueue_dma source(%dma_start3A_98 : memref<96x256xf32, #tpu.memory_space<vmem>>) target(%dma_start3A_95 : memref<96x256xf32, #tpu.memory_space<hbm>>) target_semaphore(%run_scoped3A : memref<!tpu.dma_semaphore, #tpu.memory_space<semaphore_mem>>)
        %dma_wait3A_99 = arith.constant 0 : i32
        %dma_wait3A_100 = arith.constant 0 : i32
        %dma_wait3A_101 = tpu.memref_slice %arg9[%dma_wait3A_99, %dma_wait3A_100] : memref<96x256xf32, #tpu.memory_space<vmem>> -> memref<96x256xf32, #tpu.memory_space<vmem>>
        %dma_wait3A_102 = arith.constant 0 : i32
        %dma_wait3A_103 = tpu.memref_slice %arg6[%add3A_87, %dma_wait3A_102] : memref<160000x256xf32, #tpu.memory_space<hbm>> -> memref<96x256xf32, #tpu.memory_space<hbm>>
        %dma_wait3A_104 = arith.constant 0 : i32
        %dma_wait3A_105 = tpu.memref_slice %arg6[%add3A_87, %dma_wait3A_104] : memref<160000x256xf32, #tpu.memory_space<hbm>> -> memref<96x256xf32, #tpu.memory_space<hbm>>
        %dma_wait3A_106 = arith.constant 0 : i32
        %dma_wait3A_107 = arith.constant 0 : i32
        %dma_wait3A_108 = tpu.memref_slice %arg9[%dma_wait3A_106, %dma_wait3A_107] : memref<96x256xf32, #tpu.memory_space<vmem>> -> memref<96x256xf32, #tpu.memory_space<vmem>>
        tpu.wait_dma2 semaphore(%run_scoped3A : memref<!tpu.dma_semaphore, #tpu.memory_space<semaphore_mem>>) src(%dma_wait3A_108 : memref<96x256xf32, #tpu.memory_space<vmem>>) dst(%dma_wait3A_105 : memref<96x256xf32, #tpu.memory_space<hbm>>)
        tpu.yield
      }) : () -> ()
      %scan3A_88 = arith.constant 0 : i32
      scf.yield %scan3A_88 : i32
    }
    %scan3A_8 = arith.constant 52 : i32
    %dma_start3A = arith.constant 0 : i32
    %dma_start3A_9 = arith.constant 0 : i32
    %dma_start3A_10 = tpu.memref_slice %arg9[%dma_start3A, %dma_start3A_9] : memref<96x256xf32, #tpu.memory_space<vmem>> -> memref<8x256xf32, #tpu.memory_space<vmem>>
    %dma_start3A_11 = arith.constant 4992 : i32
    %dma_start3A_12 = tpu.memref_slice %arg7[%dma_start3A_11] : memref<5000xi32, #tpu.memory_space<vmem>> -> memref<8xi32, #tpu.memory_space<vmem>>
    %dma_start3A_13 = arith.constant 0 : i32
    %dma_start3A_14 = arith.constant 0 : i32
    %dma_start3A_15 = tpu.memref_slice %arg2[%dma_start3A_13, %dma_start3A_14] : memref<10000x256xf32, #tpu.memory_space<hbm>> -> memref<10000x256xf32, #tpu.memory_space<hbm>>
    tpu.enqueue_indirect_dma source(%dma_start3A_15 : memref<10000x256xf32, #tpu.memory_space<hbm>>) target(%dma_start3A_10 : memref<8x256xf32, #tpu.memory_space<vmem>>) offsets(%dma_start3A_12 : memref<8xi32, #tpu.memory_space<vmem>>) semaphore(%arg11 : memref<!tpu.dma_semaphore, #tpu.memory_space<semaphore_mem>>)
    %dma_start3A_16 = arith.constant 0 : i32
    %dma_start3A_17 = arith.constant 0 : i32
    %dma_start3A_18 = tpu.memref_slice %arg10[%dma_start3A_16, %dma_start3A_17] : memref<96x256xf32, #tpu.memory_space<vmem>> -> memref<8x256xf32, #tpu.memory_space<vmem>>
    %dma_start3A_19 = arith.constant 4992 : i32
    %dma_start3A_20 = tpu.memref_slice %arg8[%dma_start3A_19] : memref<5000xi32, #tpu.memory_space<vmem>> -> memref<8xi32, #tpu.memory_space<vmem>>
    %dma_start3A_21 = arith.constant 0 : i32
    %dma_start3A_22 = arith.constant 0 : i32
    %dma_start3A_23 = tpu.memref_slice %arg3[%dma_start3A_21, %dma_start3A_22] : memref<10000x256xf32, #tpu.memory_space<hbm>> -> memref<10000x256xf32, #tpu.memory_space<hbm>>
    tpu.enqueue_indirect_dma source(%dma_start3A_23 : memref<10000x256xf32, #tpu.memory_space<hbm>>) target(%dma_start3A_18 : memref<8x256xf32, #tpu.memory_space<vmem>>) offsets(%dma_start3A_20 : memref<8xi32, #tpu.memory_space<vmem>>) semaphore(%arg11 : memref<!tpu.dma_semaphore, #tpu.memory_space<semaphore_mem>>)
    %dma_wait3A = arith.constant 0 : i32
    %dma_wait3A_24 = arith.constant 0 : i32
    %dma_wait3A_25 = tpu.memref_slice %arg10[%dma_wait3A, %dma_wait3A_24] : memref<96x256xf32, #tpu.memory_space<vmem>> -> memref<8x256xf32, #tpu.memory_space<vmem>>
    %dma_wait3A_26 = arith.constant 4992 : i32
    %dma_wait3A_27 = tpu.memref_slice %arg8[%dma_wait3A_26] : memref<5000xi32, #tpu.memory_space<vmem>> -> memref<8xi32, #tpu.memory_space<vmem>>
    %dma_wait3A_28 = arith.constant 0 : i32
    %dma_wait3A_29 = arith.constant 0 : i32
    %dma_wait3A_30 = tpu.memref_slice %arg3[%dma_wait3A_28, %dma_wait3A_29] : memref<10000x256xf32, #tpu.memory_space<hbm>> -> memref<10000x256xf32, #tpu.memory_space<hbm>>
    tpu.wait_indirect_dma semaphore(%arg11 : memref<!tpu.dma_semaphore, #tpu.memory_space<semaphore_mem>>) src(%dma_wait3A_30 : memref<10000x256xf32, #tpu.memory_space<hbm>>) dst(%dma_wait3A_25 : memref<8x256xf32, #tpu.memory_space<vmem>>)
    %dma_wait3A_31 = arith.constant 0 : i32
    %dma_wait3A_32 = arith.constant 0 : i32
    %dma_wait3A_33 = tpu.memref_slice %arg9[%dma_wait3A_31, %dma_wait3A_32] : memref<96x256xf32, #tpu.memory_space<vmem>> -> memref<8x256xf32, #tpu.memory_space<vmem>>
    %dma_wait3A_34 = arith.constant 4992 : i32
    %dma_wait3A_35 = tpu.memref_slice %arg7[%dma_wait3A_34] : memref<5000xi32, #tpu.memory_space<vmem>> -> memref<8xi32, #tpu.memory_space<vmem>>
    %dma_wait3A_36 = arith.constant 0 : i32
    %dma_wait3A_37 = arith.constant 0 : i32
    %dma_wait3A_38 = tpu.memref_slice %arg2[%dma_wait3A_36, %dma_wait3A_37] : memref<10000x256xf32, #tpu.memory_space<hbm>> -> memref<10000x256xf32, #tpu.memory_space<hbm>>
    tpu.wait_indirect_dma semaphore(%arg11 : memref<!tpu.dma_semaphore, #tpu.memory_space<semaphore_mem>>) src(%dma_wait3A_38 : memref<10000x256xf32, #tpu.memory_space<hbm>>) dst(%dma_wait3A_33 : memref<8x256xf32, #tpu.memory_space<vmem>>)
    %scan3A_39 = arith.constant 0 : i32
    %scan3A_40 = arith.constant 0 : i32
    %scan3A_41 = arith.constant 8 : i32
    %scan3A_42 = arith.addi %scan3A_40, %scan3A_41 : i32
    %scan3A_43 = arith.constant 1 : i32
    %scan3A_44 = scf.for %scan3A_48 = %scan3A_40 to %scan3A_42 step %scan3A_43 iter_args(%scan3A_49 = %scan3A_39) -> (i32)  : i32 {
      %get3A = arith.index_cast %scan3A_48 : i32 to index
      %get3A_50 = arith.constant 0 : index
      %get3A_51 = tpu.vector_load %arg9[%get3A, %get3A_50] {strides = array<i32>} : memref<96x256xf32, #tpu.memory_space<vmem>>, vector<16xf32>,
      %bitcast3A = vector.bitcast %get3A_51 : vector<16xf32> to vector<32xbf16>
      %get3A_52 = arith.index_cast %scan3A_48 : i32 to index
      %get3A_53 = arith.constant 0 : index
      %get3A_54 = tpu.vector_load %arg10[%get3A_52, %get3A_53] {strides = array<i32>} : memref<96x256xf32, #tpu.memory_space<vmem>>, vector<16xf32>,
      %bitcast3A_55 = vector.bitcast %get3A_54 : vector<16xf32> to vector<32xbf16>
      %add3A_56 = arith.addf %bitcast3A, %bitcast3A_55 : vector<32xbf16>
      %bitcast3A_57 = vector.bitcast %add3A_56 : vector<32xbf16> to vector<16xf32>
      %swap3A = arith.index_cast %scan3A_48 : i32 to index
      %swap3A_58 = arith.constant 0 : index
      %swap3A_59 = tpu.vector_load %arg9[%swap3A, %swap3A_58] {strides = array<i32>} : memref<96x256xf32, #tpu.memory_space<vmem>>, vector<16xf32>,
      tpu.vector_store %arg9[%swap3A, %swap3A_58], %bitcast3A_57 {strides = array<i32>} : memref<96x256xf32, #tpu.memory_space<vmem>>, vector<16xf32>,
      %get3A_60 = arith.index_cast %scan3A_48 : i32 to index
      %get3A_61 = arith.constant 16 : index
      %get3A_62 = tpu.vector_load %arg9[%get3A_60, %get3A_61] {strides = array<i32>} : memref<96x256xf32, #tpu.memory_space<vmem>>, vector<16xf32>,
      %bitcast3A_63 = vector.bitcast %get3A_62 : vector<16xf32> to vector<32xbf16>
      %get3A_64 = arith.index_cast %scan3A_48 : i32 to index
      %get3A_65 = arith.constant 16 : index
      %get3A_66 = tpu.vector_load %arg10[%get3A_64, %get3A_65] {strides = array<i32>} : memref<96x256xf32, #tpu.memory_space<vmem>>, vector<16xf32>,
      %bitcast3A_67 = vector.bitcast %get3A_66 : vector<16xf32> to vector<32xbf16>
      %add3A_68 = arith.addf %bitcast3A_63, %bitcast3A_67 : vector<32xbf16>
      %bitcast3A_69 = vector.bitcast %add3A_68 : vector<32xbf16> to vector<16xf32>
      %swap3A_70 = arith.index_cast %scan3A_48 : i32 to index
      %swap3A_71 = arith.constant 16 : index
      %swap3A_72 = tpu.vector_load %arg9[%swap3A_70, %swap3A_71] {strides = array<i32>} : memref<96x256xf32, #tpu.memory_space<vmem>>, vector<16xf32>,
      tpu.vector_store %arg9[%swap3A_70, %swap3A_71], %bitcast3A_69 {strides = array<i32>} : memref<96x256xf32, #tpu.memory_space<vmem>>, vector<16xf32>,
      %get3A_73 = arith.index_cast %scan3A_48 : i32 to index
      %get3A_74 = arith.constant 32 : index
      %get3A_75 = tpu.vector_load %arg9[%get3A_73, %get3A_74] {strides = array<i32>} : memref<96x256xf32, #tpu.memory_space<vmem>>, vector<16xf32>,
      %bitcast3A_76 = vector.bitcast %get3A_75 : vector<16xf32> to vector<32xbf16>
      %get3A_77 = arith.index_cast %scan3A_48 : i32 to index
      %get3A_78 = arith.constant 32 : index
      %get3A_79 = tpu.vector_load %arg10[%get3A_77, %get3A_78] {strides = array<i32>} : memref<96x256xf32, #tpu.memory_space<vmem>>, vector<16xf32>,
      %bitcast3A_80 = vector.bitcast %get3A_79 : vector<16xf32> to vector<32xbf16>
      %add3A_81 = arith.addf %bitcast3A_76, %bitcast3A_80 : vector<32xbf16>
      %bitcast3A_82 = vector.bitcast %add3A_81 : vector<32xbf16> to vector<16xf32>
      %swap3A_83 = arith.index_cast %scan3A_48 : i32 to index
      %swap3A_84 = arith.constant 32 : index
      %swap3A_85 = tpu.vector_load %arg9[%swap3A_83, %swap3A_84] {strides = array<i32>} : memref<96x256xf32, #tpu.memory_space<vmem>>, vector<16xf32>,
      tpu.vector_store %arg9[%swap3A_83, %swap3A_84], %bitcast3A_82 {strides = array<i32>} : memref<96x256xf32, #tpu.memory_space<vmem>>, vector<16xf32>,
      %get3A_86 = arith.index_cast %scan3A_48 : i32 to index
      %get3A_87 = arith.constant 48 : index
      %get3A_88 = tpu.vector_load %arg9[%get3A_86, %get3A_87] {strides = array<i32>} : memref<96x256xf32, #tpu.memory_space<vmem>>, vector<16xf32>,
      %bitcast3A_89 = vector.bitcast %get3A_88 : vector<16xf32> to vector<32xbf16>
      %get3A_90 = arith.index_cast %scan3A_48 : i32 to index
      %get3A_91 = arith.constant 48 : index
      %get3A_92 = tpu.vector_load %arg10[%get3A_90, %get3A_91] {strides = array<i32>} : memref<96x256xf32, #tpu.memory_space<vmem>>, vector<16xf32>,
      %bitcast3A_93 = vector.bitcast %get3A_92 : vector<16xf32> to vector<32xbf16>
      %add3A_94 = arith.addf %bitcast3A_89, %bitcast3A_93 : vector<32xbf16>
      %bitcast3A_95 = vector.bitcast %add3A_94 : vector<32xbf16> to vector<16xf32>
      %swap3A_96 = arith.index_cast %scan3A_48 : i32 to index
      %swap3A_97 = arith.constant 48 : index
      %swap3A_98 = tpu.vector_load %arg9[%swap3A_96, %swap3A_97] {strides = array<i32>} : memref<96x256xf32, #tpu.memory_space<vmem>>, vector<16xf32>,
      tpu.vector_store %arg9[%swap3A_96, %swap3A_97], %bitcast3A_95 {strides = array<i32>} : memref<96x256xf32, #tpu.memory_space<vmem>>, vector<16xf32>,
      %get3A_99 = arith.index_cast %scan3A_48 : i32 to index
      %get3A_100 = arith.constant 64 : index
      %get3A_101 = tpu.vector_load %arg9[%get3A_99, %get3A_100] {strides = array<i32>} : memref<96x256xf32, #tpu.memory_space<vmem>>, vector<16xf32>,
      %bitcast3A_102 = vector.bitcast %get3A_101 : vector<16xf32> to vector<32xbf16>
      %get3A_103 = arith.index_cast %scan3A_48 : i32 to index
      %get3A_104 = arith.constant 64 : index
      %get3A_105 = tpu.vector_load %arg10[%get3A_103, %get3A_104] {strides = array<i32>} : memref<96x256xf32, #tpu.memory_space<vmem>>, vector<16xf32>,
      %bitcast3A_106 = vector.bitcast %get3A_105 : vector<16xf32> to vector<32xbf16>
      %add3A_107 = arith.addf %bitcast3A_102, %bitcast3A_106 : vector<32xbf16>
      %bitcast3A_108 = vector.bitcast %add3A_107 : vector<32xbf16> to vector<16xf32>
      %swap3A_109 = arith.index_cast %scan3A_48 : i32 to index
      %swap3A_110 = arith.constant 64 : index
      %swap3A_111 = tpu.vector_load %arg9[%swap3A_109, %swap3A_110] {strides = array<i32>} : memref<96x256xf32, #tpu.memory_space<vmem>>, vector<16xf32>,
      tpu.vector_store %arg9[%swap3A_109, %swap3A_110], %bitcast3A_108 {strides = array<i32>} : memref<96x256xf32, #tpu.memory_space<vmem>>, vector<16xf32>,
      %get3A_112 = arith.index_cast %scan3A_48 : i32 to index
      %get3A_113 = arith.constant 80 : index
      %get3A_114 = tpu.vector_load %arg9[%get3A_112, %get3A_113] {strides = array<i32>} : memref<96x256xf32, #tpu.memory_space<vmem>>, vector<16xf32>,
      %bitcast3A_115 = vector.bitcast %get3A_114 : vector<16xf32> to vector<32xbf16>
      %get3A_116 = arith.index_cast %scan3A_48 : i32 to index
      %get3A_117 = arith.constant 80 : index
      %get3A_118 = tpu.vector_load %arg10[%get3A_116, %get3A_117] {strides = array<i32>} : memref<96x256xf32, #tpu.memory_space<vmem>>, vector<16xf32>,
      %bitcast3A_119 = vector.bitcast %get3A_118 : vector<16xf32> to vector<32xbf16>
      %add3A_120 = arith.addf %bitcast3A_115, %bitcast3A_119 : vector<32xbf16>
      %bitcast3A_121 = vector.bitcast %add3A_120 : vector<32xbf16> to vector<16xf32>
      %swap3A_122 = arith.index_cast %scan3A_48 : i32 to index
      %swap3A_123 = arith.constant 80 : index
      %swap3A_124 = tpu.vector_load %arg9[%swap3A_122, %swap3A_123] {strides = array<i32>} : memref<96x256xf32, #tpu.memory_space<vmem>>, vector<16xf32>,
      tpu.vector_store %arg9[%swap3A_122, %swap3A_123], %bitcast3A_121 {strides = array<i32>} : memref<96x256xf32, #tpu.memory_space<vmem>>, vector<16xf32>,
      %get3A_125 = arith.index_cast %scan3A_48 : i32 to index
      %get3A_126 = arith.constant 96 : index
      %get3A_127 = tpu.vector_load %arg9[%get3A_125, %get3A_126] {strides = array<i32>} : memref<96x256xf32, #tpu.memory_space<vmem>>, vector<16xf32>,
      %bitcast3A_128 = vector.bitcast %get3A_127 : vector<16xf32> to vector<32xbf16>
      %get3A_129 = arith.index_cast %scan3A_48 : i32 to index
      %get3A_130 = arith.constant 96 : index
      %get3A_131 = tpu.vector_load %arg10[%get3A_129, %get3A_130] {strides = array<i32>} : memref<96x256xf32, #tpu.memory_space<vmem>>, vector<16xf32>,
      %bitcast3A_132 = vector.bitcast %get3A_131 : vector<16xf32> to vector<32xbf16>
      %add3A_133 = arith.addf %bitcast3A_128, %bitcast3A_132 : vector<32xbf16>
      %bitcast3A_134 = vector.bitcast %add3A_133 : vector<32xbf16> to vector<16xf32>
      %swap3A_135 = arith.index_cast %scan3A_48 : i32 to index
      %swap3A_136 = arith.constant 96 : index
      %swap3A_137 = tpu.vector_load %arg9[%swap3A_135, %swap3A_136] {strides = array<i32>} : memref<96x256xf32, #tpu.memory_space<vmem>>, vector<16xf32>,
      tpu.vector_store %arg9[%swap3A_135, %swap3A_136], %bitcast3A_134 {strides = array<i32>} : memref<96x256xf32, #tpu.memory_space<vmem>>, vector<16xf32>,
      %get3A_138 = arith.index_cast %scan3A_48 : i32 to index
      %get3A_139 = arith.constant 112 : index
      %get3A_140 = tpu.vector_load %arg9[%get3A_138, %get3A_139] {strides = array<i32>} : memref<96x256xf32, #tpu.memory_space<vmem>>, vector<16xf32>,
      %bitcast3A_141 = vector.bitcast %get3A_140 : vector<16xf32> to vector<32xbf16>
      %get3A_142 = arith.index_cast %scan3A_48 : i32 to index
      %get3A_143 = arith.constant 112 : index
      %get3A_144 = tpu.vector_load %arg10[%get3A_142, %get3A_143] {strides = array<i32>} : memref<96x256xf32, #tpu.memory_space<vmem>>, vector<16xf32>,
      %bitcast3A_145 = vector.bitcast %get3A_144 : vector<16xf32> to vector<32xbf16>
      %add3A_146 = arith.addf %bitcast3A_141, %bitcast3A_145 : vector<32xbf16>
      %bitcast3A_147 = vector.bitcast %add3A_146 : vector<32xbf16> to vector<16xf32>
      %swap3A_148 = arith.index_cast %scan3A_48 : i32 to index
      %swap3A_149 = arith.constant 112 : index
      %swap3A_150 = tpu.vector_load %arg9[%swap3A_148, %swap3A_149] {strides = array<i32>} : memref<96x256xf32, #tpu.memory_space<vmem>>, vector<16xf32>,
      tpu.vector_store %arg9[%swap3A_148, %swap3A_149], %bitcast3A_147 {strides = array<i32>} : memref<96x256xf32, #tpu.memory_space<vmem>>, vector<16xf32>,
      %get3A_151 = arith.index_cast %scan3A_48 : i32 to index
      %get3A_152 = arith.constant 128 : index
      %get3A_153 = tpu.vector_load %arg9[%get3A_151, %get3A_152] {strides = array<i32>} : memref<96x256xf32, #tpu.memory_space<vmem>>, vector<16xf32>,
      %bitcast3A_154 = vector.bitcast %get3A_153 : vector<16xf32> to vector<32xbf16>
      %get3A_155 = arith.index_cast %scan3A_48 : i32 to index
      %get3A_156 = arith.constant 128 : index
      %get3A_157 = tpu.vector_load %arg10[%get3A_155, %get3A_156] {strides = array<i32>} : memref<96x256xf32, #tpu.memory_space<vmem>>, vector<16xf32>,
      %bitcast3A_158 = vector.bitcast %get3A_157 : vector<16xf32> to vector<32xbf16>
      %add3A_159 = arith.addf %bitcast3A_154, %bitcast3A_158 : vector<32xbf16>
      %bitcast3A_160 = vector.bitcast %add3A_159 : vector<32xbf16> to vector<16xf32>
      %swap3A_161 = arith.index_cast %scan3A_48 : i32 to index
      %swap3A_162 = arith.constant 128 : index
      %swap3A_163 = tpu.vector_load %arg9[%swap3A_161, %swap3A_162] {strides = array<i32>} : memref<96x256xf32, #tpu.memory_space<vmem>>, vector<16xf32>,
      tpu.vector_store %arg9[%swap3A_161, %swap3A_162], %bitcast3A_160 {strides = array<i32>} : memref<96x256xf32, #tpu.memory_space<vmem>>, vector<16xf32>,
      %get3A_164 = arith.index_cast %scan3A_48 : i32 to index
      %get3A_165 = arith.constant 144 : index
      %get3A_166 = tpu.vector_load %arg9[%get3A_164, %get3A_165] {strides = array<i32>} : memref<96x256xf32, #tpu.memory_space<vmem>>, vector<16xf32>,
      %bitcast3A_167 = vector.bitcast %get3A_166 : vector<16xf32> to vector<32xbf16>
      %get3A_168 = arith.index_cast %scan3A_48 : i32 to index
      %get3A_169 = arith.constant 144 : index
      %get3A_170 = tpu.vector_load %arg10[%get3A_168, %get3A_169] {strides = array<i32>} : memref<96x256xf32, #tpu.memory_space<vmem>>, vector<16xf32>,
      %bitcast3A_171 = vector.bitcast %get3A_170 : vector<16xf32> to vector<32xbf16>
      %add3A_172 = arith.addf %bitcast3A_167, %bitcast3A_171 : vector<32xbf16>
      %bitcast3A_173 = vector.bitcast %add3A_172 : vector<32xbf16> to vector<16xf32>
      %swap3A_174 = arith.index_cast %scan3A_48 : i32 to index
      %swap3A_175 = arith.constant 144 : index
      %swap3A_176 = tpu.vector_load %arg9[%swap3A_174, %swap3A_175] {strides = array<i32>} : memref<96x256xf32, #tpu.memory_space<vmem>>, vector<16xf32>,
      tpu.vector_store %arg9[%swap3A_174, %swap3A_175], %bitcast3A_173 {strides = array<i32>} : memref<96x256xf32, #tpu.memory_space<vmem>>, vector<16xf32>,
      %get3A_177 = arith.index_cast %scan3A_48 : i32 to index
      %get3A_178 = arith.constant 160 : index
      %get3A_179 = tpu.vector_load %arg9[%get3A_177, %get3A_178] {strides = array<i32>} : memref<96x256xf32, #tpu.memory_space<vmem>>, vector<16xf32>,
      %bitcast3A_180 = vector.bitcast %get3A_179 : vector<16xf32> to vector<32xbf16>
      %get3A_181 = arith.index_cast %scan3A_48 : i32 to index
      %get3A_182 = arith.constant 160 : index
      %get3A_183 = tpu.vector_load %arg10[%get3A_181, %get3A_182] {strides = array<i32>} : memref<96x256xf32, #tpu.memory_space<vmem>>, vector<16xf32>,
      %bitcast3A_184 = vector.bitcast %get3A_183 : vector<16xf32> to vector<32xbf16>
      %add3A_185 = arith.addf %bitcast3A_180, %bitcast3A_184 : vector<32xbf16>
      %bitcast3A_186 = vector.bitcast %add3A_185 : vector<32xbf16> to vector<16xf32>
      %swap3A_187 = arith.index_cast %scan3A_48 : i32 to index
      %swap3A_188 = arith.constant 160 : index
      %swap3A_189 = tpu.vector_load %arg9[%swap3A_187, %swap3A_188] {strides = array<i32>} : memref<96x256xf32, #tpu.memory_space<vmem>>, vector<16xf32>,
      tpu.vector_store %arg9[%swap3A_187, %swap3A_188], %bitcast3A_186 {strides = array<i32>} : memref<96x256xf32, #tpu.memory_space<vmem>>, vector<16xf32>,
      %get3A_190 = arith.index_cast %scan3A_48 : i32 to index
      %get3A_191 = arith.constant 176 : index
      %get3A_192 = tpu.vector_load %arg9[%get3A_190, %get3A_191] {strides = array<i32>} : memref<96x256xf32, #tpu.memory_space<vmem>>, vector<16xf32>,
      %bitcast3A_193 = vector.bitcast %get3A_192 : vector<16xf32> to vector<32xbf16>
      %get3A_194 = arith.index_cast %scan3A_48 : i32 to index
      %get3A_195 = arith.constant 176 : index
      %get3A_196 = tpu.vector_load %arg10[%get3A_194, %get3A_195] {strides = array<i32>} : memref<96x256xf32, #tpu.memory_space<vmem>>, vector<16xf32>,
      %bitcast3A_197 = vector.bitcast %get3A_196 : vector<16xf32> to vector<32xbf16>
      %add3A_198 = arith.addf %bitcast3A_193, %bitcast3A_197 : vector<32xbf16>
      %bitcast3A_199 = vector.bitcast %add3A_198 : vector<32xbf16> to vector<16xf32>
      %swap3A_200 = arith.index_cast %scan3A_48 : i32 to index
      %swap3A_201 = arith.constant 176 : index
      %swap3A_202 = tpu.vector_load %arg9[%swap3A_200, %swap3A_201] {strides = array<i32>} : memref<96x256xf32, #tpu.memory_space<vmem>>, vector<16xf32>,
      tpu.vector_store %arg9[%swap3A_200, %swap3A_201], %bitcast3A_199 {strides = array<i32>} : memref<96x256xf32, #tpu.memory_space<vmem>>, vector<16xf32>,
      %get3A_203 = arith.index_cast %scan3A_48 : i32 to index
      %get3A_204 = arith.constant 192 : index
      %get3A_205 = tpu.vector_load %arg9[%get3A_203, %get3A_204] {strides = array<i32>} : memref<96x256xf32, #tpu.memory_space<vmem>>, vector<16xf32>,
      %bitcast3A_206 = vector.bitcast %get3A_205 : vector<16xf32> to vector<32xbf16>
      %get3A_207 = arith.index_cast %scan3A_48 : i32 to index
      %get3A_208 = arith.constant 192 : index
      %get3A_209 = tpu.vector_load %arg10[%get3A_207, %get3A_208] {strides = array<i32>} : memref<96x256xf32, #tpu.memory_space<vmem>>, vector<16xf32>,
      %bitcast3A_210 = vector.bitcast %get3A_209 : vector<16xf32> to vector<32xbf16>
      %add3A_211 = arith.addf %bitcast3A_206, %bitcast3A_210 : vector<32xbf16>
      %bitcast3A_212 = vector.bitcast %add3A_211 : vector<32xbf16> to vector<16xf32>
      %swap3A_213 = arith.index_cast %scan3A_48 : i32 to index
      %swap3A_214 = arith.constant 192 : index
      %swap3A_215 = tpu.vector_load %arg9[%swap3A_213, %swap3A_214] {strides = array<i32>} : memref<96x256xf32, #tpu.memory_space<vmem>>, vector<16xf32>,
      tpu.vector_store %arg9[%swap3A_213, %swap3A_214], %bitcast3A_212 {strides = array<i32>} : memref<96x256xf32, #tpu.memory_space<vmem>>, vector<16xf32>,
      %get3A_216 = arith.index_cast %scan3A_48 : i32 to index
      %get3A_217 = arith.constant 208 : index
      %get3A_218 = tpu.vector_load %arg9[%get3A_216, %get3A_217] {strides = array<i32>} : memref<96x256xf32, #tpu.memory_space<vmem>>, vector<16xf32>,
      %bitcast3A_219 = vector.bitcast %get3A_218 : vector<16xf32> to vector<32xbf16>
      %get3A_220 = arith.index_cast %scan3A_48 : i32 to index
      %get3A_221 = arith.constant 208 : index
      %get3A_222 = tpu.vector_load %arg10[%get3A_220, %get3A_221] {strides = array<i32>} : memref<96x256xf32, #tpu.memory_space<vmem>>, vector<16xf32>,
      %bitcast3A_223 = vector.bitcast %get3A_222 : vector<16xf32> to vector<32xbf16>
      %add3A_224 = arith.addf %bitcast3A_219, %bitcast3A_223 : vector<32xbf16>
      %bitcast3A_225 = vector.bitcast %add3A_224 : vector<32xbf16> to vector<16xf32>
      %swap3A_226 = arith.index_cast %scan3A_48 : i32 to index
      %swap3A_227 = arith.constant 208 : index
      %swap3A_228 = tpu.vector_load %arg9[%swap3A_226, %swap3A_227] {strides = array<i32>} : memref<96x256xf32, #tpu.memory_space<vmem>>, vector<16xf32>,
      tpu.vector_store %arg9[%swap3A_226, %swap3A_227], %bitcast3A_225 {strides = array<i32>} : memref<96x256xf32, #tpu.memory_space<vmem>>, vector<16xf32>,
      %get3A_229 = arith.index_cast %scan3A_48 : i32 to index
      %get3A_230 = arith.constant 224 : index
      %get3A_231 = tpu.vector_load %arg9[%get3A_229, %get3A_230] {strides = array<i32>} : memref<96x256xf32, #tpu.memory_space<vmem>>, vector<16xf32>,
      %bitcast3A_232 = vector.bitcast %get3A_231 : vector<16xf32> to vector<32xbf16>
      %get3A_233 = arith.index_cast %scan3A_48 : i32 to index
      %get3A_234 = arith.constant 224 : index
      %get3A_235 = tpu.vector_load %arg10[%get3A_233, %get3A_234] {strides = array<i32>} : memref<96x256xf32, #tpu.memory_space<vmem>>, vector<16xf32>,
      %bitcast3A_236 = vector.bitcast %get3A_235 : vector<16xf32> to vector<32xbf16>
      %add3A_237 = arith.addf %bitcast3A_232, %bitcast3A_236 : vector<32xbf16>
      %bitcast3A_238 = vector.bitcast %add3A_237 : vector<32xbf16> to vector<16xf32>
      %swap3A_239 = arith.index_cast %scan3A_48 : i32 to index
      %swap3A_240 = arith.constant 224 : index
      %swap3A_241 = tpu.vector_load %arg9[%swap3A_239, %swap3A_240] {strides = array<i32>} : memref<96x256xf32, #tpu.memory_space<vmem>>, vector<16xf32>,
      tpu.vector_store %arg9[%swap3A_239, %swap3A_240], %bitcast3A_238 {strides = array<i32>} : memref<96x256xf32, #tpu.memory_space<vmem>>, vector<16xf32>,
      %get3A_242 = arith.index_cast %scan3A_48 : i32 to index
      %get3A_243 = arith.constant 240 : index
      %get3A_244 = tpu.vector_load %arg9[%get3A_242, %get3A_243] {strides = array<i32>} : memref<96x256xf32, #tpu.memory_space<vmem>>, vector<16xf32>,
      %bitcast3A_245 = vector.bitcast %get3A_244 : vector<16xf32> to vector<32xbf16>
      %get3A_246 = arith.index_cast %scan3A_48 : i32 to index
      %get3A_247 = arith.constant 240 : index
      %get3A_248 = tpu.vector_load %arg10[%get3A_246, %get3A_247] {strides = array<i32>} : memref<96x256xf32, #tpu.memory_space<vmem>>, vector<16xf32>,
      %bitcast3A_249 = vector.bitcast %get3A_248 : vector<16xf32> to vector<32xbf16>
      %add3A_250 = arith.addf %bitcast3A_245, %bitcast3A_249 : vector<32xbf16>
      %bitcast3A_251 = vector.bitcast %add3A_250 : vector<32xbf16> to vector<16xf32>
      %swap3A_252 = arith.index_cast %scan3A_48 : i32 to index
      %swap3A_253 = arith.constant 240 : index
      %swap3A_254 = tpu.vector_load %arg9[%swap3A_252, %swap3A_253] {strides = array<i32>} : memref<96x256xf32, #tpu.memory_space<vmem>>, vector<16xf32>,
      tpu.vector_store %arg9[%swap3A_252, %swap3A_253], %bitcast3A_251 {strides = array<i32>} : memref<96x256xf32, #tpu.memory_space<vmem>>, vector<16xf32>,
      %scan3A_255 = arith.constant 0 : i32
      scf.yield %scan3A_255 : i32
    }
    %scan3A_45 = arith.constant 8 : i32
    %add3A_46 = arith.constant 4992 : i32
    %add3A_47 = arith.addi %mul3A_2, %add3A_46 : i32
    "tpu.region"() ({
      %run_scoped3A = tpu.sem_alloc : memref<!tpu.dma_semaphore, #tpu.memory_space<semaphore_mem>>
      %dma_start3A_48 = arith.constant 0 : i32
      %dma_start3A_49 = arith.constant 0 : i32
      %dma_start3A_50 = tpu.memref_slice %arg9[%dma_start3A_48, %dma_start3A_49] : memref<96x256xf32, #tpu.memory_space<vmem>> -> memref<8x256xf32, #tpu.memory_space<vmem>>
      %dma_start3A_51 = arith.constant 0 : i32
      %dma_start3A_52 = tpu.memref_slice %arg6[%add3A_47, %dma_start3A_51] : memref<160000x256xf32, #tpu.memory_space<hbm>> -> memref<8x256xf32, #tpu.memory_space<hbm>>
      %dma_start3A_53 = arith.constant 0 : i32
      %dma_start3A_54 = tpu.memref_slice %arg6[%add3A_47, %dma_start3A_53] : memref<160000x256xf32, #tpu.memory_space<hbm>> -> memref<8x256xf32, #tpu.memory_space<hbm>>
      %dma_start3A_55 = arith.constant 0 : i32
      %dma_start3A_56 = arith.constant 0 : i32
      %dma_start3A_57 = tpu.memref_slice %arg9[%dma_start3A_55, %dma_start3A_56] : memref<96x256xf32, #tpu.memory_space<vmem>> -> memref<8x256xf32, #tpu.memory_space<vmem>>
      tpu.enqueue_dma source(%dma_start3A_57 : memref<8x256xf32, #tpu.memory_space<vmem>>) target(%dma_start3A_54 : memref<8x256xf32, #tpu.memory_space<hbm>>) target_semaphore(%run_scoped3A : memref<!tpu.dma_semaphore, #tpu.memory_space<semaphore_mem>>)
      %dma_wait3A_58 = arith.constant 0 : i32
      %dma_wait3A_59 = arith.constant 0 : i32
      %dma_wait3A_60 = tpu.memref_slice %arg9[%dma_wait3A_58, %dma_wait3A_59] : memref<96x256xf32, #tpu.memory_space<vmem>> -> memref<8x256xf32, #tpu.memory_space<vmem>>
      %dma_wait3A_61 = arith.constant 0 : i32
      %dma_wait3A_62 = tpu.memref_slice %arg6[%add3A_47, %dma_wait3A_61] : memref<160000x256xf32, #tpu.memory_space<hbm>> -> memref<8x256xf32, #tpu.memory_space<hbm>>
      %dma_wait3A_63 = arith.constant 0 : i32
      %dma_wait3A_64 = tpu.memref_slice %arg6[%add3A_47, %dma_wait3A_63] : memref<160000x256xf32, #tpu.memory_space<hbm>> -> memref<8x256xf32, #tpu.memory_space<hbm>>
      %dma_wait3A_65 = arith.constant 0 : i32
      %dma_wait3A_66 = arith.constant 0 : i32
      %dma_wait3A_67 = tpu.memref_slice %arg9[%dma_wait3A_65, %dma_wait3A_66] : memref<96x256xf32, #tpu.memory_space<vmem>> -> memref<8x256xf32, #tpu.memory_space<vmem>>
      tpu.wait_dma2 semaphore(%run_scoped3A : memref<!tpu.dma_semaphore, #tpu.memory_space<semaphore_mem>>) src(%dma_wait3A_67 : memref<8x256xf32, #tpu.memory_space<vmem>>) dst(%dma_wait3A_64 : memref<8x256xf32, #tpu.memory_space<hbm>>)
      tpu.yield
    }) : () -> ()
    return
  }
}

#map = affine_map<(d0, d1) -> (0)>
module attributes {stable_mosaic.version = 14 : i64} {
  func.func @_scatter_body(%arg0: i32, %arg1: i32, %arg2: memref<2560000xf32, #tpu.memory_space<hbm>>, %arg3: memref<5120000xi32, #tpu.memory_space<hbm>>, %arg4: memref<160256xi32, #tpu.memory_space<hbm>>, %arg5: memref<5120000xf32, #tpu.memory_space<hbm>>, %arg6: memref<320000xf32, #tpu.memory_space<hbm>>, %arg7: memref<3200xf32, #tpu.memory_space<vmem>>, %arg8: memref<3200xi32, #tpu.memory_space<vmem>>, %arg9: memref<5008xi32, #tpu.memory_space<vmem>>, %arg10: memref<80016xf32, #tpu.memory_space<vmem>>, %arg11: memref<5016xf32, #tpu.memory_space<vmem>>, %arg12: memref<!tpu.dma_semaphore, #tpu.memory_space<semaphore_mem>>) attributes {dimension_semantics = [#tpu.dimension_semantics<core_parallel>, #tpu.dimension_semantics<subcore_parallel>], iteration_bounds = array<i64: 2, 16>, scalar_prefetch = 0 : i64, scratch_operands = 6 : i64, tpu.core_type = #tpu.core_type<sc_vector_subcore>, window_params = [{transform_indices = #map}, {transform_indices = #map}, {transform_indices = #map}, {transform_indices = #map}, {transform_indices = #map}]} {
    %mul3A = arith.constant 2 : i32
    %mul3A_0 = arith.muli %arg1, %mul3A : i32
    %add3A = arith.addi %mul3A_0, %arg0 : i32
    %mul3A_1 = arith.constant 5000 : i32
    %mul3A_2 = arith.muli %add3A, %mul3A_1 : i32
    %mul3A_3 = arith.constant 5008 : i32
    %mul3A_4 = arith.muli %add3A, %mul3A_3 : i32
    "tpu.region"() ({
      %run_scoped3A = tpu.sem_alloc : memref<!tpu.dma_semaphore, #tpu.memory_space<semaphore_mem>>
      %dma_start3A = tpu.memref_slice %arg4[%mul3A_4] : memref<160256xi32, #tpu.memory_space<hbm>> -> memref<5008xi32, #tpu.memory_space<hbm>>
      %dma_start3A_77 = tpu.memref_slice %arg4[%mul3A_4] : memref<160256xi32, #tpu.memory_space<hbm>> -> memref<5008xi32, #tpu.memory_space<hbm>>
      tpu.enqueue_dma source(%dma_start3A_77 : memref<5008xi32, #tpu.memory_space<hbm>>) target(%arg9 : memref<5008xi32, #tpu.memory_space<vmem>>) target_semaphore(%run_scoped3A : memref<!tpu.dma_semaphore, #tpu.memory_space<semaphore_mem>>)
      %dma_wait3A = tpu.memref_slice %arg4[%mul3A_4] : memref<160256xi32, #tpu.memory_space<hbm>> -> memref<5008xi32, #tpu.memory_space<hbm>>
      %dma_wait3A_78 = tpu.memref_slice %arg4[%mul3A_4] : memref<160256xi32, #tpu.memory_space<hbm>> -> memref<5008xi32, #tpu.memory_space<hbm>>
      tpu.wait_dma2 semaphore(%run_scoped3A : memref<!tpu.dma_semaphore, #tpu.memory_space<semaphore_mem>>) src(%dma_wait3A_78 : memref<5008xi32, #tpu.memory_space<hbm>>) dst(%arg9 : memref<5008xi32, #tpu.memory_space<vmem>>)
      tpu.yield
    }) : () -> ()
    %broadcast_in_dim3A = arith.constant 1.000000e+00 : f32
    %broadcast_in_dim3A_5 = vector.broadcast %broadcast_in_dim3A : f32 to vector<16xf32>
    %scan3A = arith.constant 0 : i32
    %scan3A_6 = arith.constant 0 : i32
    %scan3A_7 = arith.constant 5001 : i32
    %scan3A_8 = arith.addi %scan3A_6, %scan3A_7 : i32
    %scan3A_9 = arith.constant 1 : i32
    %scan3A_10 = scf.for %scan3A_77 = %scan3A_6 to %scan3A_8 step %scan3A_9 iter_args(%scan3A_78 = %scan3A) -> (i32)  : i32 {
      %broadcast_in_dim3A_79 = arith.constant 0.000000e+00 : f32
      %broadcast_in_dim3A_80 = vector.broadcast %broadcast_in_dim3A_79 : f32 to vector<16xf32>
      %mul3A_81 = arith.constant 16 : i32
      %mul3A_82 = arith.muli %scan3A_77, %mul3A_81 : i32
      %swap3A = arith.index_cast %mul3A_82 : i32 to index
      %swap3A_83 = tpu.vector_load %arg10[%swap3A] {strides = array<i32>} : memref<80016xf32, #tpu.memory_space<vmem>>, vector<16xf32>,
      tpu.vector_store %arg10[%swap3A], %broadcast_in_dim3A_80 {strides = array<i32>} : memref<80016xf32, #tpu.memory_space<vmem>>, vector<16xf32>,
      %scan3A_84 = arith.constant 0 : i32
      scf.yield %scan3A_84 : i32
    }
    %scan3A_11 = arith.constant 5001 : i32
    %scan3A_12 = arith.constant 0 : i32
    %scan3A_13 = arith.constant 0 : i32
    %scan3A_14 = arith.constant 313 : i32
    %scan3A_15 = arith.addi %scan3A_13, %scan3A_14 : i32
    %scan3A_16 = arith.constant 1 : i32
    %scan3A_17 = scf.for %scan3A_77 = %scan3A_13 to %scan3A_15 step %scan3A_16 iter_args(%scan3A_78 = %scan3A_12) -> (i32)  : i32 {
      %broadcast_in_dim3A_79 = arith.constant 0.000000e+00 : f32
      %broadcast_in_dim3A_80 = vector.broadcast %broadcast_in_dim3A_79 : f32 to vector<16xf32>
      %mul3A_81 = arith.constant 16 : i32
      %mul3A_82 = arith.muli %scan3A_77, %mul3A_81 : i32
      %swap3A = arith.index_cast %mul3A_82 : i32 to index
      %swap3A_83 = tpu.vector_load %arg11[%swap3A] {strides = array<i32>} : memref<5016xf32, #tpu.memory_space<vmem>>, vector<16xf32>,
      tpu.vector_store %arg11[%swap3A], %broadcast_in_dim3A_80 {strides = array<i32>} : memref<5016xf32, #tpu.memory_space<vmem>>, vector<16xf32>,
      %scan3A_84 = arith.constant 0 : i32
      scf.yield %scan3A_84 : i32
    }
    %scan3A_18 = arith.constant 313 : i32
    %scan3A_19 = arith.constant 0 : i32
    %scan3A_20 = arith.constant 0 : i32
    %scan3A_21 = arith.constant 25 : i32
    %scan3A_22 = arith.addi %scan3A_20, %scan3A_21 : i32
    %scan3A_23 = arith.constant 1 : i32
    %scan3A_24 = scf.for %scan3A_77 = %scan3A_20 to %scan3A_22 step %scan3A_23 iter_args(%scan3A_78 = %scan3A_19) -> (i32)  : i32 {
      %mul3A_79 = arith.constant 200 : i32
      %mul3A_80 = arith.muli %scan3A_77, %mul3A_79 : i32
      %add3A_81 = arith.addi %mul3A_2, %mul3A_80 : i32
      %mul3A_82 = arith.constant 16 : i32
      %mul3A_83 = arith.muli %add3A_81, %mul3A_82 : i32
      "tpu.region"() ({
        %run_scoped3A = tpu.sem_alloc : memref<!tpu.dma_semaphore, #tpu.memory_space<semaphore_mem>>
        %dma_start3A = tpu.memref_slice %arg2[%mul3A_83] : memref<2560000xf32, #tpu.memory_space<hbm>> -> memref<3200xf32, #tpu.memory_space<hbm>>
        %dma_start3A_94 = tpu.memref_slice %arg2[%mul3A_83] : memref<2560000xf32, #tpu.memory_space<hbm>> -> memref<3200xf32, #tpu.memory_space<hbm>>
        tpu.enqueue_dma source(%dma_start3A_94 : memref<3200xf32, #tpu.memory_space<hbm>>) target(%arg7 : memref<3200xf32, #tpu.memory_space<vmem>>) target_semaphore(%run_scoped3A : memref<!tpu.dma_semaphore, #tpu.memory_space<semaphore_mem>>)
        %dma_wait3A = tpu.memref_slice %arg2[%mul3A_83] : memref<2560000xf32, #tpu.memory_space<hbm>> -> memref<3200xf32, #tpu.memory_space<hbm>>
        %dma_wait3A_95 = tpu.memref_slice %arg2[%mul3A_83] : memref<2560000xf32, #tpu.memory_space<hbm>> -> memref<3200xf32, #tpu.memory_space<hbm>>
        tpu.wait_dma2 semaphore(%run_scoped3A : memref<!tpu.dma_semaphore, #tpu.memory_space<semaphore_mem>>) src(%dma_wait3A_95 : memref<3200xf32, #tpu.memory_space<hbm>>) dst(%arg7 : memref<3200xf32, #tpu.memory_space<vmem>>)
        tpu.yield
      }) : () -> ()
      %add3A_84 = arith.constant 0 : i32
      %add3A_85 = arith.addi %add3A_84, %mul3A_83 : i32
      "tpu.region"() ({
        %run_scoped3A = tpu.sem_alloc : memref<!tpu.dma_semaphore, #tpu.memory_space<semaphore_mem>>
        %dma_start3A = tpu.memref_slice %arg3[%add3A_85] : memref<5120000xi32, #tpu.memory_space<hbm>> -> memref<3200xi32, #tpu.memory_space<hbm>>
        %dma_start3A_94 = tpu.memref_slice %arg3[%add3A_85] : memref<5120000xi32, #tpu.memory_space<hbm>> -> memref<3200xi32, #tpu.memory_space<hbm>>
        tpu.enqueue_dma source(%dma_start3A_94 : memref<3200xi32, #tpu.memory_space<hbm>>) target(%arg8 : memref<3200xi32, #tpu.memory_space<vmem>>) target_semaphore(%run_scoped3A : memref<!tpu.dma_semaphore, #tpu.memory_space<semaphore_mem>>)
        %dma_wait3A = tpu.memref_slice %arg3[%add3A_85] : memref<5120000xi32, #tpu.memory_space<hbm>> -> memref<3200xi32, #tpu.memory_space<hbm>>
        %dma_wait3A_95 = tpu.memref_slice %arg3[%add3A_85] : memref<5120000xi32, #tpu.memory_space<hbm>> -> memref<3200xi32, #tpu.memory_space<hbm>>
        tpu.wait_dma2 semaphore(%run_scoped3A : memref<!tpu.dma_semaphore, #tpu.memory_space<semaphore_mem>>) src(%dma_wait3A_95 : memref<3200xi32, #tpu.memory_space<hbm>>) dst(%arg8 : memref<3200xi32, #tpu.memory_space<vmem>>)
        tpu.yield
      }) : () -> ()
      %scan3A_86 = arith.constant 0 : i32
      %scan3A_87 = arith.constant 0 : i32
      %scan3A_88 = arith.constant 50 : i32
      %scan3A_89 = arith.addi %scan3A_87, %scan3A_88 : i32
      %scan3A_90 = arith.constant 1 : i32
      %scan3A_91 = scf.for %scan3A_94 = %scan3A_87 to %scan3A_89 step %scan3A_90 iter_args(%scan3A_95 = %scan3A_86) -> (i32)  : i32 {
        %mul3A_96 = arith.constant 4 : i32
        %mul3A_97 = arith.muli %scan3A_94, %mul3A_96 : i32
        %add3A_98 = arith.constant 0 : i32
        %add3A_99 = arith.addi %mul3A_97, %add3A_98 : i32
        %mul3A_100 = arith.constant 16 : i32
        %mul3A_101 = arith.muli %add3A_99, %mul3A_100 : i32
        %get3A = arith.index_cast %mul3A_101 : i32 to index
        %get3A_102 = tpu.vector_load %arg8[%get3A] {strides = array<i32>} : memref<3200xi32, #tpu.memory_space<vmem>>, vector<16xi32>,
        %get3A_103 = arith.index_cast %mul3A_101 : i32 to index
        %get3A_104 = tpu.vector_load %arg7[%get3A_103] {strides = array<i32>} : memref<3200xf32, #tpu.memory_space<vmem>>, vector<16xf32>,
        tpu.vector_store_idx %arg10[%get3A_102], %get3A_104 {add = true} : memref<80016xf32, #tpu.memory_space<vmem>>[vector<16xi32>], vector<16xf32>,
        %mul3A_105 = arith.constant 4 : i32
        %mul3A_106 = arith.muli %scan3A_94, %mul3A_105 : i32
        %add3A_107 = arith.constant 1 : i32
        %add3A_108 = arith.addi %mul3A_106, %add3A_107 : i32
        %mul3A_109 = arith.constant 16 : i32
        %mul3A_110 = arith.muli %add3A_108, %mul3A_109 : i32
        %get3A_111 = arith.index_cast %mul3A_110 : i32 to index
        %get3A_112 = tpu.vector_load %arg8[%get3A_111] {strides = array<i32>} : memref<3200xi32, #tpu.memory_space<vmem>>, vector<16xi32>,
        %get3A_113 = arith.index_cast %mul3A_110 : i32 to index
        %get3A_114 = tpu.vector_load %arg7[%get3A_113] {strides = array<i32>} : memref<3200xf32, #tpu.memory_space<vmem>>, vector<16xf32>,
        tpu.vector_store_idx %arg10[%get3A_112], %get3A_114 {add = true} : memref<80016xf32, #tpu.memory_space<vmem>>[vector<16xi32>], vector<16xf32>,
        %mul3A_115 = arith.constant 4 : i32
        %mul3A_116 = arith.muli %scan3A_94, %mul3A_115 : i32
        %add3A_117 = arith.constant 2 : i32
        %add3A_118 = arith.addi %mul3A_116, %add3A_117 : i32
        %mul3A_119 = arith.constant 16 : i32
        %mul3A_120 = arith.muli %add3A_118, %mul3A_119 : i32
        %get3A_121 = arith.index_cast %mul3A_120 : i32 to index
        %get3A_122 = tpu.vector_load %arg8[%get3A_121] {strides = array<i32>} : memref<3200xi32, #tpu.memory_space<vmem>>, vector<16xi32>,
        %get3A_123 = arith.index_cast %mul3A_120 : i32 to index
        %get3A_124 = tpu.vector_load %arg7[%get3A_123] {strides = array<i32>} : memref<3200xf32, #tpu.memory_space<vmem>>, vector<16xf32>,
        tpu.vector_store_idx %arg10[%get3A_122], %get3A_124 {add = true} : memref<80016xf32, #tpu.memory_space<vmem>>[vector<16xi32>], vector<16xf32>,
        %mul3A_125 = arith.constant 4 : i32
        %mul3A_126 = arith.muli %scan3A_94, %mul3A_125 : i32
        %add3A_127 = arith.constant 3 : i32
        %add3A_128 = arith.addi %mul3A_126, %add3A_127 : i32
        %mul3A_129 = arith.constant 16 : i32
        %mul3A_130 = arith.muli %add3A_128, %mul3A_129 : i32
        %get3A_131 = arith.index_cast %mul3A_130 : i32 to index
        %get3A_132 = tpu.vector_load %arg8[%get3A_131] {strides = array<i32>} : memref<3200xi32, #tpu.memory_space<vmem>>, vector<16xi32>,
        %get3A_133 = arith.index_cast %mul3A_130 : i32 to index
        %get3A_134 = tpu.vector_load %arg7[%get3A_133] {strides = array<i32>} : memref<3200xf32, #tpu.memory_space<vmem>>, vector<16xf32>,
        tpu.vector_store_idx %arg10[%get3A_132], %get3A_134 {add = true} : memref<80016xf32, #tpu.memory_space<vmem>>[vector<16xi32>], vector<16xf32>,
        %scan3A_135 = arith.constant 0 : i32
        scf.yield %scan3A_135 : i32
      }
      %scan3A_92 = arith.constant 50 : i32
      %scan3A_93 = arith.constant 0 : i32
      scf.yield %scan3A_93 : i32
    }
    %scan3A_25 = arith.constant 25 : i32
    %scan3A_26 = arith.constant 0 : i32
    %scan3A_27 = arith.constant 0 : i32
    %scan3A_28 = arith.constant 313 : i32
    %scan3A_29 = arith.addi %scan3A_27, %scan3A_28 : i32
    %scan3A_30 = arith.constant 1 : i32
    %scan3A_31 = scf.for %scan3A_77 = %scan3A_27 to %scan3A_29 step %scan3A_30 iter_args(%scan3A_78 = %scan3A_26) -> (i32)  : i32 {
      %mul3A_79 = arith.constant 16 : i32
      %mul3A_80 = arith.muli %scan3A_77, %mul3A_79 : i32
      %get3A = arith.index_cast %mul3A_80 : i32 to index
      %get3A_81 = tpu.vector_load %arg9[%get3A] {strides = array<i32>} : memref<5008xi32, #tpu.memory_space<vmem>>, vector<16xi32>,
      %sub3A = arith.constant 0 : i32
      %sub3A_82 = vector.broadcast %sub3A : i32 to vector<16xi32>
      %sub3A_83 = arith.subi %get3A_81, %sub3A_82 : vector<16xi32>
      %bitcast3A = vector.bitcast %sub3A_83 : vector<16xi32> to vector<16xi32>
      %lt3A = arith.constant 5000 : i32
      %lt3A_84 = vector.broadcast %lt3A : i32 to vector<16xi32>
      %lt3A_85 = arith.cmpi ult, %bitcast3A, %lt3A_84 : vector<16xi32>
      %iota3A = tpu.iota {dimensions = array<i32: 0>} : vector<16xi32>
      %add3A_86 = arith.constant 5000 : i32
      %add3A_87 = vector.broadcast %add3A_86 : i32 to vector<16xi32>
      %add3A_88 = arith.addi %add3A_87, %iota3A : vector<16xi32>
      %select_n3A = arith.select %lt3A_85, %sub3A_83, %add3A_88 : vector<16xi1>, vector<16xi32>
      tpu.vector_store_idx %arg11[%select_n3A], %broadcast_in_dim3A_5 {add = true} : memref<5016xf32, #tpu.memory_space<vmem>>[vector<16xi32>], vector<16xf32>,
      %scan3A_89 = arith.constant 0 : i32
      scf.yield %scan3A_89 : i32
    }
    %scan3A_32 = arith.constant 313 : i32
    %mul3A_33 = arith.constant 160000 : i32
    %mul3A_34 = arith.muli %add3A, %mul3A_33 : i32
    %add3A_35 = arith.constant 0 : i32
    %add3A_36 = arith.addi %mul3A_34, %add3A_35 : i32
    "tpu.region"() ({
      %run_scoped3A = tpu.sem_alloc : memref<!tpu.dma_semaphore, #tpu.memory_space<semaphore_mem>>
      %dma_start3A = arith.constant 0 : i32
      %dma_start3A_77 = tpu.memref_slice %arg10[%dma_start3A] : memref<80016xf32, #tpu.memory_space<vmem>> -> memref<80000xf32, #tpu.memory_space<vmem>>
      %dma_start3A_78 = tpu.memref_slice %arg5[%add3A_36] : memref<5120000xf32, #tpu.memory_space<hbm>> -> memref<80000xf32, #tpu.memory_space<hbm>>
      %dma_start3A_79 = tpu.memref_slice %arg5[%add3A_36] : memref<5120000xf32, #tpu.memory_space<hbm>> -> memref<80000xf32, #tpu.memory_space<hbm>>
      %dma_start3A_80 = arith.constant 0 : i32
      %dma_start3A_81 = tpu.memref_slice %arg10[%dma_start3A_80] : memref<80016xf32, #tpu.memory_space<vmem>> -> memref<80000xf32, #tpu.memory_space<vmem>>
      tpu.enqueue_dma source(%dma_start3A_81 : memref<80000xf32, #tpu.memory_space<vmem>>) target(%dma_start3A_79 : memref<80000xf32, #tpu.memory_space<hbm>>) target_semaphore(%run_scoped3A : memref<!tpu.dma_semaphore, #tpu.memory_space<semaphore_mem>>)
      %dma_wait3A = arith.constant 0 : i32
      %dma_wait3A_82 = tpu.memref_slice %arg10[%dma_wait3A] : memref<80016xf32, #tpu.memory_space<vmem>> -> memref<80000xf32, #tpu.memory_space<vmem>>
      %dma_wait3A_83 = tpu.memref_slice %arg5[%add3A_36] : memref<5120000xf32, #tpu.memory_space<hbm>> -> memref<80000xf32, #tpu.memory_space<hbm>>
      %dma_wait3A_84 = tpu.memref_slice %arg5[%add3A_36] : memref<5120000xf32, #tpu.memory_space<hbm>> -> memref<80000xf32, #tpu.memory_space<hbm>>
      %dma_wait3A_85 = arith.constant 0 : i32
      %dma_wait3A_86 = tpu.memref_slice %arg10[%dma_wait3A_85] : memref<80016xf32, #tpu.memory_space<vmem>> -> memref<80000xf32, #tpu.memory_space<vmem>>
      tpu.wait_dma2 semaphore(%run_scoped3A : memref<!tpu.dma_semaphore, #tpu.memory_space<semaphore_mem>>) src(%dma_wait3A_86 : memref<80000xf32, #tpu.memory_space<vmem>>) dst(%dma_wait3A_84 : memref<80000xf32, #tpu.memory_space<hbm>>)
      tpu.yield
    }) : () -> ()
    %mul3A_37 = arith.constant 10000 : i32
    %mul3A_38 = arith.muli %add3A, %mul3A_37 : i32
    %add3A_39 = arith.constant 0 : i32
    %add3A_40 = arith.addi %mul3A_38, %add3A_39 : i32
    "tpu.region"() ({
      %run_scoped3A = tpu.sem_alloc : memref<!tpu.dma_semaphore, #tpu.memory_space<semaphore_mem>>
      %dma_start3A = arith.constant 0 : i32
      %dma_start3A_77 = tpu.memref_slice %arg11[%dma_start3A] : memref<5016xf32, #tpu.memory_space<vmem>> -> memref<5000xf32, #tpu.memory_space<vmem>>
      %dma_start3A_78 = tpu.memref_slice %arg6[%add3A_40] : memref<320000xf32, #tpu.memory_space<hbm>> -> memref<5000xf32, #tpu.memory_space<hbm>>
      %dma_start3A_79 = tpu.memref_slice %arg6[%add3A_40] : memref<320000xf32, #tpu.memory_space<hbm>> -> memref<5000xf32, #tpu.memory_space<hbm>>
      %dma_start3A_80 = arith.constant 0 : i32
      %dma_start3A_81 = tpu.memref_slice %arg11[%dma_start3A_80] : memref<5016xf32, #tpu.memory_space<vmem>> -> memref<5000xf32, #tpu.memory_space<vmem>>
      tpu.enqueue_dma source(%dma_start3A_81 : memref<5000xf32, #tpu.memory_space<vmem>>) target(%dma_start3A_79 : memref<5000xf32, #tpu.memory_space<hbm>>) target_semaphore(%run_scoped3A : memref<!tpu.dma_semaphore, #tpu.memory_space<semaphore_mem>>)
      %dma_wait3A = arith.constant 0 : i32
      %dma_wait3A_82 = tpu.memref_slice %arg11[%dma_wait3A] : memref<5016xf32, #tpu.memory_space<vmem>> -> memref<5000xf32, #tpu.memory_space<vmem>>
      %dma_wait3A_83 = tpu.memref_slice %arg6[%add3A_40] : memref<320000xf32, #tpu.memory_space<hbm>> -> memref<5000xf32, #tpu.memory_space<hbm>>
      %dma_wait3A_84 = tpu.memref_slice %arg6[%add3A_40] : memref<320000xf32, #tpu.memory_space<hbm>> -> memref<5000xf32, #tpu.memory_space<hbm>>
      %dma_wait3A_85 = arith.constant 0 : i32
      %dma_wait3A_86 = tpu.memref_slice %arg11[%dma_wait3A_85] : memref<5016xf32, #tpu.memory_space<vmem>> -> memref<5000xf32, #tpu.memory_space<vmem>>
      tpu.wait_dma2 semaphore(%run_scoped3A : memref<!tpu.dma_semaphore, #tpu.memory_space<semaphore_mem>>) src(%dma_wait3A_86 : memref<5000xf32, #tpu.memory_space<vmem>>) dst(%dma_wait3A_84 : memref<5000xf32, #tpu.memory_space<hbm>>)
      tpu.yield
    }) : () -> ()
    %scan3A_41 = arith.constant 0 : i32
    %scan3A_42 = arith.constant 0 : i32
    %scan3A_43 = arith.constant 5001 : i32
    %scan3A_44 = arith.addi %scan3A_42, %scan3A_43 : i32
    %scan3A_45 = arith.constant 1 : i32
    %scan3A_46 = scf.for %scan3A_77 = %scan3A_42 to %scan3A_44 step %scan3A_45 iter_args(%scan3A_78 = %scan3A_41) -> (i32)  : i32 {
      %broadcast_in_dim3A_79 = arith.constant 0.000000e+00 : f32
      %broadcast_in_dim3A_80 = vector.broadcast %broadcast_in_dim3A_79 : f32 to vector<16xf32>
      %mul3A_81 = arith.constant 16 : i32
      %mul3A_82 = arith.muli %scan3A_77, %mul3A_81 : i32
      %swap3A = arith.index_cast %mul3A_82 : i32 to index
      %swap3A_83 = tpu.vector_load %arg10[%swap3A] {strides = array<i32>} : memref<80016xf32, #tpu.memory_space<vmem>>, vector<16xf32>,
      tpu.vector_store %arg10[%swap3A], %broadcast_in_dim3A_80 {strides = array<i32>} : memref<80016xf32, #tpu.memory_space<vmem>>, vector<16xf32>,
      %scan3A_84 = arith.constant 0 : i32
      scf.yield %scan3A_84 : i32
    }
    %scan3A_47 = arith.constant 5001 : i32
    %scan3A_48 = arith.constant 0 : i32
    %scan3A_49 = arith.constant 0 : i32
    %scan3A_50 = arith.constant 313 : i32
    %scan3A_51 = arith.addi %scan3A_49, %scan3A_50 : i32
    %scan3A_52 = arith.constant 1 : i32
    %scan3A_53 = scf.for %scan3A_77 = %scan3A_49 to %scan3A_51 step %scan3A_52 iter_args(%scan3A_78 = %scan3A_48) -> (i32)  : i32 {
      %broadcast_in_dim3A_79 = arith.constant 0.000000e+00 : f32
      %broadcast_in_dim3A_80 = vector.broadcast %broadcast_in_dim3A_79 : f32 to vector<16xf32>
      %mul3A_81 = arith.constant 16 : i32
      %mul3A_82 = arith.muli %scan3A_77, %mul3A_81 : i32
      %swap3A = arith.index_cast %mul3A_82 : i32 to index
      %swap3A_83 = tpu.vector_load %arg11[%swap3A] {strides = array<i32>} : memref<5016xf32, #tpu.memory_space<vmem>>, vector<16xf32>,
      tpu.vector_store %arg11[%swap3A], %broadcast_in_dim3A_80 {strides = array<i32>} : memref<5016xf32, #tpu.memory_space<vmem>>, vector<16xf32>,
      %scan3A_84 = arith.constant 0 : i32
      scf.yield %scan3A_84 : i32
    }
    %scan3A_54 = arith.constant 313 : i32
    %scan3A_55 = arith.constant 0 : i32
    %scan3A_56 = arith.constant 0 : i32
    %scan3A_57 = arith.constant 25 : i32
    %scan3A_58 = arith.addi %scan3A_56, %scan3A_57 : i32
    %scan3A_59 = arith.constant 1 : i32
    %scan3A_60 = scf.for %scan3A_77 = %scan3A_56 to %scan3A_58 step %scan3A_59 iter_args(%scan3A_78 = %scan3A_55) -> (i32)  : i32 {
      %mul3A_79 = arith.constant 200 : i32
      %mul3A_80 = arith.muli %scan3A_77, %mul3A_79 : i32
      %add3A_81 = arith.addi %mul3A_2, %mul3A_80 : i32
      %mul3A_82 = arith.constant 16 : i32
      %mul3A_83 = arith.muli %add3A_81, %mul3A_82 : i32
      "tpu.region"() ({
        %run_scoped3A = tpu.sem_alloc : memref<!tpu.dma_semaphore, #tpu.memory_space<semaphore_mem>>
        %dma_start3A = tpu.memref_slice %arg2[%mul3A_83] : memref<2560000xf32, #tpu.memory_space<hbm>> -> memref<3200xf32, #tpu.memory_space<hbm>>
        %dma_start3A_94 = tpu.memref_slice %arg2[%mul3A_83] : memref<2560000xf32, #tpu.memory_space<hbm>> -> memref<3200xf32, #tpu.memory_space<hbm>>
        tpu.enqueue_dma source(%dma_start3A_94 : memref<3200xf32, #tpu.memory_space<hbm>>) target(%arg7 : memref<3200xf32, #tpu.memory_space<vmem>>) target_semaphore(%run_scoped3A : memref<!tpu.dma_semaphore, #tpu.memory_space<semaphore_mem>>)
        %dma_wait3A = tpu.memref_slice %arg2[%mul3A_83] : memref<2560000xf32, #tpu.memory_space<hbm>> -> memref<3200xf32, #tpu.memory_space<hbm>>
        %dma_wait3A_95 = tpu.memref_slice %arg2[%mul3A_83] : memref<2560000xf32, #tpu.memory_space<hbm>> -> memref<3200xf32, #tpu.memory_space<hbm>>
        tpu.wait_dma2 semaphore(%run_scoped3A : memref<!tpu.dma_semaphore, #tpu.memory_space<semaphore_mem>>) src(%dma_wait3A_95 : memref<3200xf32, #tpu.memory_space<hbm>>) dst(%arg7 : memref<3200xf32, #tpu.memory_space<vmem>>)
        tpu.yield
      }) : () -> ()
      %add3A_84 = arith.constant 2560000 : i32
      %add3A_85 = arith.addi %add3A_84, %mul3A_83 : i32
      "tpu.region"() ({
        %run_scoped3A = tpu.sem_alloc : memref<!tpu.dma_semaphore, #tpu.memory_space<semaphore_mem>>
        %dma_start3A = tpu.memref_slice %arg3[%add3A_85] : memref<5120000xi32, #tpu.memory_space<hbm>> -> memref<3200xi32, #tpu.memory_space<hbm>>
        %dma_start3A_94 = tpu.memref_slice %arg3[%add3A_85] : memref<5120000xi32, #tpu.memory_space<hbm>> -> memref<3200xi32, #tpu.memory_space<hbm>>
        tpu.enqueue_dma source(%dma_start3A_94 : memref<3200xi32, #tpu.memory_space<hbm>>) target(%arg8 : memref<3200xi32, #tpu.memory_space<vmem>>) target_semaphore(%run_scoped3A : memref<!tpu.dma_semaphore, #tpu.memory_space<semaphore_mem>>)
        %dma_wait3A = tpu.memref_slice %arg3[%add3A_85] : memref<5120000xi32, #tpu.memory_space<hbm>> -> memref<3200xi32, #tpu.memory_space<hbm>>
        %dma_wait3A_95 = tpu.memref_slice %arg3[%add3A_85] : memref<5120000xi32, #tpu.memory_space<hbm>> -> memref<3200xi32, #tpu.memory_space<hbm>>
        tpu.wait_dma2 semaphore(%run_scoped3A : memref<!tpu.dma_semaphore, #tpu.memory_space<semaphore_mem>>) src(%dma_wait3A_95 : memref<3200xi32, #tpu.memory_space<hbm>>) dst(%arg8 : memref<3200xi32, #tpu.memory_space<vmem>>)
        tpu.yield
      }) : () -> ()
      %scan3A_86 = arith.constant 0 : i32
      %scan3A_87 = arith.constant 0 : i32
      %scan3A_88 = arith.constant 50 : i32
      %scan3A_89 = arith.addi %scan3A_87, %scan3A_88 : i32
      %scan3A_90 = arith.constant 1 : i32
      %scan3A_91 = scf.for %scan3A_94 = %scan3A_87 to %scan3A_89 step %scan3A_90 iter_args(%scan3A_95 = %scan3A_86) -> (i32)  : i32 {
        %mul3A_96 = arith.constant 4 : i32
        %mul3A_97 = arith.muli %scan3A_94, %mul3A_96 : i32
        %add3A_98 = arith.constant 0 : i32
        %add3A_99 = arith.addi %mul3A_97, %add3A_98 : i32
        %mul3A_100 = arith.constant 16 : i32
        %mul3A_101 = arith.muli %add3A_99, %mul3A_100 : i32
        %get3A = arith.index_cast %mul3A_101 : i32 to index
        %get3A_102 = tpu.vector_load %arg8[%get3A] {strides = array<i32>} : memref<3200xi32, #tpu.memory_space<vmem>>, vector<16xi32>,
        %get3A_103 = arith.index_cast %mul3A_101 : i32 to index
        %get3A_104 = tpu.vector_load %arg7[%get3A_103] {strides = array<i32>} : memref<3200xf32, #tpu.memory_space<vmem>>, vector<16xf32>,
        tpu.vector_store_idx %arg10[%get3A_102], %get3A_104 {add = true} : memref<80016xf32, #tpu.memory_space<vmem>>[vector<16xi32>], vector<16xf32>,
        %mul3A_105 = arith.constant 4 : i32
        %mul3A_106 = arith.muli %scan3A_94, %mul3A_105 : i32
        %add3A_107 = arith.constant 1 : i32
        %add3A_108 = arith.addi %mul3A_106, %add3A_107 : i32
        %mul3A_109 = arith.constant 16 : i32
        %mul3A_110 = arith.muli %add3A_108, %mul3A_109 : i32
        %get3A_111 = arith.index_cast %mul3A_110 : i32 to index
        %get3A_112 = tpu.vector_load %arg8[%get3A_111] {strides = array<i32>} : memref<3200xi32, #tpu.memory_space<vmem>>, vector<16xi32>,
        %get3A_113 = arith.index_cast %mul3A_110 : i32 to index
        %get3A_114 = tpu.vector_load %arg7[%get3A_113] {strides = array<i32>} : memref<3200xf32, #tpu.memory_space<vmem>>, vector<16xf32>,
        tpu.vector_store_idx %arg10[%get3A_112], %get3A_114 {add = true} : memref<80016xf32, #tpu.memory_space<vmem>>[vector<16xi32>], vector<16xf32>,
        %mul3A_115 = arith.constant 4 : i32
        %mul3A_116 = arith.muli %scan3A_94, %mul3A_115 : i32
        %add3A_117 = arith.constant 2 : i32
        %add3A_118 = arith.addi %mul3A_116, %add3A_117 : i32
        %mul3A_119 = arith.constant 16 : i32
        %mul3A_120 = arith.muli %add3A_118, %mul3A_119 : i32
        %get3A_121 = arith.index_cast %mul3A_120 : i32 to index
        %get3A_122 = tpu.vector_load %arg8[%get3A_121] {strides = array<i32>} : memref<3200xi32, #tpu.memory_space<vmem>>, vector<16xi32>,
        %get3A_123 = arith.index_cast %mul3A_120 : i32 to index
        %get3A_124 = tpu.vector_load %arg7[%get3A_123] {strides = array<i32>} : memref<3200xf32, #tpu.memory_space<vmem>>, vector<16xf32>,
        tpu.vector_store_idx %arg10[%get3A_122], %get3A_124 {add = true} : memref<80016xf32, #tpu.memory_space<vmem>>[vector<16xi32>], vector<16xf32>,
        %mul3A_125 = arith.constant 4 : i32
        %mul3A_126 = arith.muli %scan3A_94, %mul3A_125 : i32
        %add3A_127 = arith.constant 3 : i32
        %add3A_128 = arith.addi %mul3A_126, %add3A_127 : i32
        %mul3A_129 = arith.constant 16 : i32
        %mul3A_130 = arith.muli %add3A_128, %mul3A_129 : i32
        %get3A_131 = arith.index_cast %mul3A_130 : i32 to index
        %get3A_132 = tpu.vector_load %arg8[%get3A_131] {strides = array<i32>} : memref<3200xi32, #tpu.memory_space<vmem>>, vector<16xi32>,
        %get3A_133 = arith.index_cast %mul3A_130 : i32 to index
        %get3A_134 = tpu.vector_load %arg7[%get3A_133] {strides = array<i32>} : memref<3200xf32, #tpu.memory_space<vmem>>, vector<16xf32>,
        tpu.vector_store_idx %arg10[%get3A_132], %get3A_134 {add = true} : memref<80016xf32, #tpu.memory_space<vmem>>[vector<16xi32>], vector<16xf32>,
        %scan3A_135 = arith.constant 0 : i32
        scf.yield %scan3A_135 : i32
      }
      %scan3A_92 = arith.constant 50 : i32
      %scan3A_93 = arith.constant 0 : i32
      scf.yield %scan3A_93 : i32
    }
    %scan3A_61 = arith.constant 25 : i32
    %scan3A_62 = arith.constant 0 : i32
    %scan3A_63 = arith.constant 0 : i32
    %scan3A_64 = arith.constant 313 : i32
    %scan3A_65 = arith.addi %scan3A_63, %scan3A_64 : i32
    %scan3A_66 = arith.constant 1 : i32
    %scan3A_67 = scf.for %scan3A_77 = %scan3A_63 to %scan3A_65 step %scan3A_66 iter_args(%scan3A_78 = %scan3A_62) -> (i32)  : i32 {
      %mul3A_79 = arith.constant 16 : i32
      %mul3A_80 = arith.muli %scan3A_77, %mul3A_79 : i32
      %get3A = arith.index_cast %mul3A_80 : i32 to index
      %get3A_81 = tpu.vector_load %arg9[%get3A] {strides = array<i32>} : memref<5008xi32, #tpu.memory_space<vmem>>, vector<16xi32>,
      %sub3A = arith.constant 5000 : i32
      %sub3A_82 = vector.broadcast %sub3A : i32 to vector<16xi32>
      %sub3A_83 = arith.subi %get3A_81, %sub3A_82 : vector<16xi32>
      %bitcast3A = vector.bitcast %sub3A_83 : vector<16xi32> to vector<16xi32>
      %lt3A = arith.constant 5000 : i32
      %lt3A_84 = vector.broadcast %lt3A : i32 to vector<16xi32>
      %lt3A_85 = arith.cmpi ult, %bitcast3A, %lt3A_84 : vector<16xi32>
      %iota3A = tpu.iota {dimensions = array<i32: 0>} : vector<16xi32>
      %add3A_86 = arith.constant 5000 : i32
      %add3A_87 = vector.broadcast %add3A_86 : i32 to vector<16xi32>
      %add3A_88 = arith.addi %add3A_87, %iota3A : vector<16xi32>
      %select_n3A = arith.select %lt3A_85, %sub3A_83, %add3A_88 : vector<16xi1>, vector<16xi32>
      tpu.vector_store_idx %arg11[%select_n3A], %broadcast_in_dim3A_5 {add = true} : memref<5016xf32, #tpu.memory_space<vmem>>[vector<16xi32>], vector<16xf32>,
      %scan3A_89 = arith.constant 0 : i32
      scf.yield %scan3A_89 : i32
    }
    %scan3A_68 = arith.constant 313 : i32
    %mul3A_69 = arith.constant 160000 : i32
    %mul3A_70 = arith.muli %add3A, %mul3A_69 : i32
    %add3A_71 = arith.constant 80000 : i32
    %add3A_72 = arith.addi %mul3A_70, %add3A_71 : i32
    "tpu.region"() ({
      %run_scoped3A = tpu.sem_alloc : memref<!tpu.dma_semaphore, #tpu.memory_space<semaphore_mem>>
      %dma_start3A = arith.constant 0 : i32
      %dma_start3A_77 = tpu.memref_slice %arg10[%dma_start3A] : memref<80016xf32, #tpu.memory_space<vmem>> -> memref<80000xf32, #tpu.memory_space<vmem>>
      %dma_start3A_78 = tpu.memref_slice %arg5[%add3A_72] : memref<5120000xf32, #tpu.memory_space<hbm>> -> memref<80000xf32, #tpu.memory_space<hbm>>
      %dma_start3A_79 = tpu.memref_slice %arg5[%add3A_72] : memref<5120000xf32, #tpu.memory_space<hbm>> -> memref<80000xf32, #tpu.memory_space<hbm>>
      %dma_start3A_80 = arith.constant 0 : i32
      %dma_start3A_81 = tpu.memref_slice %arg10[%dma_start3A_80] : memref<80016xf32, #tpu.memory_space<vmem>> -> memref<80000xf32, #tpu.memory_space<vmem>>
      tpu.enqueue_dma source(%dma_start3A_81 : memref<80000xf32, #tpu.memory_space<vmem>>) target(%dma_start3A_79 : memref<80000xf32, #tpu.memory_space<hbm>>) target_semaphore(%run_scoped3A : memref<!tpu.dma_semaphore, #tpu.memory_space<semaphore_mem>>)
      %dma_wait3A = arith.constant 0 : i32
      %dma_wait3A_82 = tpu.memref_slice %arg10[%dma_wait3A] : memref<80016xf32, #tpu.memory_space<vmem>> -> memref<80000xf32, #tpu.memory_space<vmem>>
      %dma_wait3A_83 = tpu.memref_slice %arg5[%add3A_72] : memref<5120000xf32, #tpu.memory_space<hbm>> -> memref<80000xf32, #tpu.memory_space<hbm>>
      %dma_wait3A_84 = tpu.memref_slice %arg5[%add3A_72] : memref<5120000xf32, #tpu.memory_space<hbm>> -> memref<80000xf32, #tpu.memory_space<hbm>>
      %dma_wait3A_85 = arith.constant 0 : i32
      %dma_wait3A_86 = tpu.memref_slice %arg10[%dma_wait3A_85] : memref<80016xf32, #tpu.memory_space<vmem>> -> memref<80000xf32, #tpu.memory_space<vmem>>
      tpu.wait_dma2 semaphore(%run_scoped3A : memref<!tpu.dma_semaphore, #tpu.memory_space<semaphore_mem>>) src(%dma_wait3A_86 : memref<80000xf32, #tpu.memory_space<vmem>>) dst(%dma_wait3A_84 : memref<80000xf32, #tpu.memory_space<hbm>>)
      tpu.yield
    }) : () -> ()
    %mul3A_73 = arith.constant 10000 : i32
    %mul3A_74 = arith.muli %add3A, %mul3A_73 : i32
    %add3A_75 = arith.constant 5000 : i32
    %add3A_76 = arith.addi %mul3A_74, %add3A_75 : i32
    "tpu.region"() ({
      %run_scoped3A = tpu.sem_alloc : memref<!tpu.dma_semaphore, #tpu.memory_space<semaphore_mem>>
      %dma_start3A = arith.constant 0 : i32
      %dma_start3A_77 = tpu.memref_slice %arg11[%dma_start3A] : memref<5016xf32, #tpu.memory_space<vmem>> -> memref<5000xf32, #tpu.memory_space<vmem>>
      %dma_start3A_78 = tpu.memref_slice %arg6[%add3A_76] : memref<320000xf32, #tpu.memory_space<hbm>> -> memref<5000xf32, #tpu.memory_space<hbm>>
      %dma_start3A_79 = tpu.memref_slice %arg6[%add3A_76] : memref<320000xf32, #tpu.memory_space<hbm>> -> memref<5000xf32, #tpu.memory_space<hbm>>
      %dma_start3A_80 = arith.constant 0 : i32
      %dma_start3A_81 = tpu.memref_slice %arg11[%dma_start3A_80] : memref<5016xf32, #tpu.memory_space<vmem>> -> memref<5000xf32, #tpu.memory_space<vmem>>
      tpu.enqueue_dma source(%dma_start3A_81 : memref<5000xf32, #tpu.memory_space<vmem>>) target(%dma_start3A_79 : memref<5000xf32, #tpu.memory_space<hbm>>) target_semaphore(%run_scoped3A : memref<!tpu.dma_semaphore, #tpu.memory_space<semaphore_mem>>)
      %dma_wait3A = arith.constant 0 : i32
      %dma_wait3A_82 = tpu.memref_slice %arg11[%dma_wait3A] : memref<5016xf32, #tpu.memory_space<vmem>> -> memref<5000xf32, #tpu.memory_space<vmem>>
      %dma_wait3A_83 = tpu.memref_slice %arg6[%add3A_76] : memref<320000xf32, #tpu.memory_space<hbm>> -> memref<5000xf32, #tpu.memory_space<hbm>>
      %dma_wait3A_84 = tpu.memref_slice %arg6[%add3A_76] : memref<320000xf32, #tpu.memory_space<hbm>> -> memref<5000xf32, #tpu.memory_space<hbm>>
      %dma_wait3A_85 = arith.constant 0 : i32
      %dma_wait3A_86 = tpu.memref_slice %arg11[%dma_wait3A_85] : memref<5016xf32, #tpu.memory_space<vmem>> -> memref<5000xf32, #tpu.memory_space<vmem>>
      tpu.wait_dma2 semaphore(%run_scoped3A : memref<!tpu.dma_semaphore, #tpu.memory_space<semaphore_mem>>) src(%dma_wait3A_86 : memref<5000xf32, #tpu.memory_space<vmem>>) dst(%dma_wait3A_84 : memref<5000xf32, #tpu.memory_space<hbm>>)
      tpu.yield
    }) : () -> ()
    return
  }
}

module attributes {stable_mosaic.version = 14 : i64} {
  func.func @_mm1_body(%arg0: i32, %arg1: memref<2000x256xf32, #tpu.memory_space<vmem>>, %arg2: memref<256x512xf32, #tpu.memory_space<vmem>>, %arg3: memref<256x512xf32, #tpu.memory_space<vmem>>, %arg4: memref<1x512xf32, #tpu.memory_space<vmem>>, %arg5: memref<2000x256xf32, #tpu.memory_space<vmem>>, %arg6: memref<2000x256xf32, #tpu.memory_space<vmem>>) attributes {dimension_semantics = [#tpu.dimension_semantics<arbitrary>], iteration_bounds = array<i64: 5>, scalar_prefetch = 0 : i64, scratch_operands = 0 : i64, tpu.core_type = #tpu.core_type<tc>, window_params = [{transform_indices = @transform_0, window_bounds = array<i64: 2000, 256>}, {pipeline_mode = #tpu.pipeline_mode<synchronous>, transform_indices = @transform_1, window_bounds = array<i64: 256, 512>}, {pipeline_mode = #tpu.pipeline_mode<synchronous>, transform_indices = @transform_2, window_bounds = array<i64: 256, 512>}, {pipeline_mode = #tpu.pipeline_mode<synchronous>, transform_indices = @transform_3, window_bounds = array<i64: 1, 512>}, {transform_indices = @transform_4, window_bounds = array<i64: 2000, 256>}, {transform_indices = @transform_5, window_bounds = array<i64: 2000, 256>}]} {
    %get3A = arith.constant 0 : index
    %get3A_0 = arith.constant 0 : index
    %get3A_1 = vector.load %arg1[%get3A, %get3A_0] : memref<2000x256xf32, #tpu.memory_space<vmem>>, vector<2000x256xf32>
    %get3A_2 = arith.constant 0 : index
    %get3A_3 = arith.constant 0 : index
    %get3A_4 = vector.load %arg2[%get3A_2, %get3A_3] : memref<256x512xf32, #tpu.memory_space<vmem>>, vector<256x512xf32>
    %dot_general3A = arith.constant dense<0.000000e+00> : vector<2000x512xf32>
    %dot_general3A_5 = tpu.matmul %get3A_1, %get3A_4, %dot_general3A {dimension_numbers = #tpu.dot_dimension_numbers<[1], [0], [0], [1], [0, 0, 1, 1], [], []>, transpose_lhs_hint = false} : vector<2000x256xf32>, vector<256x512xf32>, vector<2000x512xf32> -> vector<2000x512xf32>
    %get3A_6 = arith.constant 0 : index
    %get3A_7 = arith.constant 0 : index
    %get3A_8 = vector.load %arg4[%get3A_6, %get3A_7] : memref<1x512xf32, #tpu.memory_space<vmem>>, vector<1x512xf32>
    %add3A = vector.broadcast %get3A_8 : vector<1x512xf32> to vector<2000x512xf32>
    %add3A_9 = arith.addf %dot_general3A_5, %add3A : vector<2000x512xf32>
    %get3A_10 = arith.constant 0 : index
    %get3A_11 = arith.constant 0 : index
    %get3A_12 = vector.load %arg3[%get3A_10, %get3A_11] : memref<256x512xf32, #tpu.memory_space<vmem>>, vector<256x512xf32>
    %dot_general3A_13 = arith.constant dense<0.000000e+00> : vector<2000x512xf32>
    %dot_general3A_14 = tpu.matmul %get3A_1, %get3A_12, %dot_general3A_13 {dimension_numbers = #tpu.dot_dimension_numbers<[1], [0], [0], [1], [0, 0, 1, 1], [], []>, transpose_lhs_hint = false} : vector<2000x256xf32>, vector<256x512xf32>, vector<2000x512xf32> -> vector<2000x512xf32>
    %convert_element_type3A = arith.truncf %add3A_9 : vector<2000x512xf32> to vector<2000x512xbf16>
    %convert_element_type3A_15 = arith.extf %convert_element_type3A : vector<2000x512xbf16> to vector<2000x512xf32>
    %bitcast_convert_type3A = tpu.bitcast %convert_element_type3A_15 : vector<2000x512xf32> -> vector<2000x512xi32>
    %slice3A = vector.extract_strided_slice %bitcast_convert_type3A {offsets = [0, 0], sizes = [2000, 256], strides = [1, 1]} : vector<2000x512xi32> to vector<2000x256xi32>
    %shift_right_logical3A = arith.constant 16 : i32
    %shift_right_logical3A_16 = vector.broadcast %shift_right_logical3A : i32 to vector<2000x256xi32>
    %shift_right_logical3A_17 = arith.shrui %slice3A, %shift_right_logical3A_16 : vector<2000x256xi32>
    %slice3A_18 = vector.extract_strided_slice %bitcast_convert_type3A {offsets = [0, 256], sizes = [2000, 256], strides = [1, 1]} : vector<2000x512xi32> to vector<2000x256xi32>
    %and3A = arith.constant -65536 : i32
    %and3A_19 = vector.broadcast %and3A : i32 to vector<2000x256xi32>
    %and3A_20 = arith.andi %slice3A_18, %and3A_19 : vector<2000x256xi32>
    %or3A = arith.ori %and3A_20, %shift_right_logical3A_17 : vector<2000x256xi32>
    %bitcast_convert_type3A_21 = tpu.bitcast %or3A : vector<2000x256xi32> -> vector<2000x256xf32>
    %swap3A = arith.constant 0 : index
    %swap3A_22 = arith.constant 0 : index
    %swap3A_23 = vector.load %arg5[%swap3A, %swap3A_22] : memref<2000x256xf32, #tpu.memory_space<vmem>>, vector<2000x256xf32>
    tpu.vector_store %arg5[%swap3A, %swap3A_22], %bitcast_convert_type3A_21 {strides = array<i32>} : memref<2000x256xf32, #tpu.memory_space<vmem>>, vector<2000x256xf32>,
    %convert_element_type3A_24 = arith.truncf %dot_general3A_14 : vector<2000x512xf32> to vector<2000x512xbf16>
    %convert_element_type3A_25 = arith.extf %convert_element_type3A_24 : vector<2000x512xbf16> to vector<2000x512xf32>
    %bitcast_convert_type3A_26 = tpu.bitcast %convert_element_type3A_25 : vector<2000x512xf32> -> vector<2000x512xi32>
    %slice3A_27 = vector.extract_strided_slice %bitcast_convert_type3A_26 {offsets = [0, 0], sizes = [2000, 256], strides = [1, 1]} : vector<2000x512xi32> to vector<2000x256xi32>
    %shift_right_logical3A_28 = arith.constant 16 : i32
    %shift_right_logical3A_29 = vector.broadcast %shift_right_logical3A_28 : i32 to vector<2000x256xi32>
    %shift_right_logical3A_30 = arith.shrui %slice3A_27, %shift_right_logical3A_29 : vector<2000x256xi32>
    %slice3A_31 = vector.extract_strided_slice %bitcast_convert_type3A_26 {offsets = [0, 256], sizes = [2000, 256], strides = [1, 1]} : vector<2000x512xi32> to vector<2000x256xi32>
    %and3A_32 = arith.constant -65536 : i32
    %and3A_33 = vector.broadcast %and3A_32 : i32 to vector<2000x256xi32>
    %and3A_34 = arith.andi %slice3A_31, %and3A_33 : vector<2000x256xi32>
    %or3A_35 = arith.ori %and3A_34, %shift_right_logical3A_30 : vector<2000x256xi32>
    %bitcast_convert_type3A_36 = tpu.bitcast %or3A_35 : vector<2000x256xi32> -> vector<2000x256xf32>
    %swap3A_37 = arith.constant 0 : index
    %swap3A_38 = arith.constant 0 : index
    %swap3A_39 = vector.load %arg6[%swap3A_37, %swap3A_38] : memref<2000x256xf32, #tpu.memory_space<vmem>>, vector<2000x256xf32>
    tpu.vector_store %arg6[%swap3A_37, %swap3A_38], %bitcast_convert_type3A_36 {strides = array<i32>} : memref<2000x256xf32, #tpu.memory_space<vmem>>, vector<2000x256xf32>,
    return
  }
  func.func @transform_0(%arg0: i32) -> (i32, i32) {
    %c0_i32 = arith.constant 0 : i32
    %c0_i32_0 = arith.constant 0 : i32
    return %arg0, %c0_i32 : i32, i32
  }
  func.func @transform_1(%arg0: i32) -> (i32, i32) {
    %c0_i32 = arith.constant 0 : i32
    %c0_i32_0 = arith.constant 0 : i32
    %c0_i32_1 = arith.constant 0 : i32
    return %c0_i32, %c0_i32_0 : i32, i32
  }
  func.func @transform_2(%arg0: i32) -> (i32, i32) {
    %c0_i32 = arith.constant 0 : i32
    %c0_i32_0 = arith.constant 0 : i32
    %c0_i32_1 = arith.constant 0 : i32
    return %c0_i32, %c0_i32_0 : i32, i32
  }
  func.func @transform_3(%arg0: i32) -> (i32, i32) {
    %c0_i32 = arith.constant 0 : i32
    %c0_i32_0 = arith.constant 0 : i32
    %c0_i32_1 = arith.constant 0 : i32
    return %c0_i32, %c0_i32_0 : i32, i32
  }
  func.func @transform_4(%arg0: i32) -> (i32, i32) {
    %c0_i32 = arith.constant 0 : i32
    %c0_i32_0 = arith.constant 0 : i32
    return %arg0, %c0_i32 : i32, i32
  }
  func.func @transform_5(%arg0: i32) -> (i32, i32) {
    %c0_i32 = arith.constant 0 : i32
    %c0_i32_0 = arith.constant 0 : i32
    return %arg0, %c0_i32 : i32, i32
  }
}

module attributes {stable_mosaic.version = 14 : i64} {
  func.func @_edge_body(%arg0: i32, %arg1: memref<2000x256xf32, #tpu.memory_space<vmem>>, %arg2: memref<2000x16xf32, #tpu.memory_space<vmem>>, %arg3: memref<16x512xf32, #tpu.memory_space<vmem>>, %arg4: memref<512x16xf32, #tpu.memory_space<vmem>>, %arg5: memref<1x16xf32, #tpu.memory_space<vmem>>, %arg6: memref<2000x16xf32, #tpu.memory_space<vmem>>) attributes {dimension_semantics = [#tpu.dimension_semantics<arbitrary>], iteration_bounds = array<i64: 80>, scalar_prefetch = 0 : i64, scratch_operands = 0 : i64, tpu.core_type = #tpu.core_type<tc>, window_params = [{transform_indices = @transform_0, window_bounds = array<i64: 2000, 256>}, {transform_indices = @transform_1, window_bounds = array<i64: 2000, 16>}, {pipeline_mode = #tpu.pipeline_mode<synchronous>, transform_indices = @transform_2, window_bounds = array<i64: 16, 512>}, {pipeline_mode = #tpu.pipeline_mode<synchronous>, transform_indices = @transform_3, window_bounds = array<i64: 512, 16>}, {pipeline_mode = #tpu.pipeline_mode<synchronous>, transform_indices = @transform_4, window_bounds = array<i64: 1, 16>}, {transform_indices = @transform_5, window_bounds = array<i64: 2000, 16>}]} {
    %get3A = arith.constant 0 : index
    %get3A_0 = arith.constant 0 : index
    %get3A_1 = vector.load %arg2[%get3A, %get3A_0] : memref<2000x16xf32, #tpu.memory_space<vmem>>, vector<2000x16xf32>
    %convert_element_type3A = arith.truncf %get3A_1 : vector<2000x16xf32> to vector<2000x16xbf16>
    %get3A_2 = arith.constant 0 : index
    %get3A_3 = arith.constant 0 : index
    %get3A_4 = vector.load %arg3[%get3A_2, %get3A_3] : memref<16x512xf32, #tpu.memory_space<vmem>>, vector<16x512xf32>
    %convert_element_type3A_5 = arith.truncf %get3A_4 : vector<16x512xf32> to vector<16x512xbf16>
    %dot_general3A = arith.constant dense<0.000000e+00> : vector<2000x512xf32>
    %dot_general3A_6 = tpu.matmul %convert_element_type3A, %convert_element_type3A_5, %dot_general3A {dimension_numbers = #tpu.dot_dimension_numbers<[1], [0], [0], [1], [0, 0, 1, 1], [], []>, transpose_lhs_hint = false} : vector<2000x16xbf16>, vector<16x512xbf16>, vector<2000x512xf32> -> vector<2000x512xf32>
    %get3A_7 = arith.constant 0 : index
    %get3A_8 = arith.constant 0 : index
    %get3A_9 = vector.load %arg1[%get3A_7, %get3A_8] : memref<2000x256xf32, #tpu.memory_space<vmem>>, vector<2000x256xf32>
    %bitcast_convert_type3A = tpu.bitcast %get3A_9 : vector<2000x256xf32> -> vector<2000x256xi32>
    %shift_left3A = arith.constant 16 : i32
    %shift_left3A_10 = vector.broadcast %shift_left3A : i32 to vector<2000x256xi32>
    %shift_left3A_11 = arith.shli %bitcast_convert_type3A, %shift_left3A_10 : vector<2000x256xi32>
    %bitcast_convert_type3A_12 = tpu.bitcast %shift_left3A_11 : vector<2000x256xi32> -> vector<2000x256xf32>
    %and3A = arith.constant -65536 : i32
    %and3A_13 = vector.broadcast %and3A : i32 to vector<2000x256xi32>
    %and3A_14 = arith.andi %bitcast_convert_type3A, %and3A_13 : vector<2000x256xi32>
    %bitcast_convert_type3A_15 = tpu.bitcast %and3A_14 : vector<2000x256xi32> -> vector<2000x256xf32>
    %concatenate3A = tpu.concatenate %bitcast_convert_type3A_12, %bitcast_convert_type3A_15 in 1 : vector<2000x256xf32>, vector<2000x256xf32> -> vector<2000x512xf32>
    %add3A = arith.addf %concatenate3A, %dot_general3A_6 : vector<2000x512xf32>
    %max3A = arith.constant 0.000000e+00 : f32
    %max3A_16 = vector.broadcast %max3A : f32 to vector<2000x512xf32>
    %max3A_17 = arith.maximumf %add3A, %max3A_16 : vector<2000x512xf32>
    %convert_element_type3A_18 = arith.truncf %max3A_17 : vector<2000x512xf32> to vector<2000x512xbf16>
    %get3A_19 = arith.constant 0 : index
    %get3A_20 = arith.constant 0 : index
    %get3A_21 = vector.load %arg4[%get3A_19, %get3A_20] : memref<512x16xf32, #tpu.memory_space<vmem>>, vector<512x16xf32>
    %convert_element_type3A_22 = arith.truncf %get3A_21 : vector<512x16xf32> to vector<512x16xbf16>
    %dot_general3A_23 = arith.constant dense<0.000000e+00> : vector<2000x16xf32>
    %dot_general3A_24 = tpu.matmul %convert_element_type3A_18, %convert_element_type3A_22, %dot_general3A_23 {dimension_numbers = #tpu.dot_dimension_numbers<[1], [0], [0], [1], [0, 0, 1, 1], [], []>, transpose_lhs_hint = false} : vector<2000x512xbf16>, vector<512x16xbf16>, vector<2000x16xf32> -> vector<2000x16xf32>
    %get3A_25 = arith.constant 0 : index
    %get3A_26 = arith.constant 0 : index
    %get3A_27 = vector.load %arg5[%get3A_25, %get3A_26] : memref<1x16xf32, #tpu.memory_space<vmem>>, vector<1x16xf32>
    %add3A_28 = vector.broadcast %get3A_27 : vector<1x16xf32> to vector<2000x16xf32>
    %add3A_29 = arith.addf %dot_general3A_24, %add3A_28 : vector<2000x16xf32>
    %swap3A = arith.constant 0 : index
    %swap3A_30 = arith.constant 0 : index
    %swap3A_31 = vector.load %arg6[%swap3A, %swap3A_30] : memref<2000x16xf32, #tpu.memory_space<vmem>>, vector<2000x16xf32>
    tpu.vector_store %arg6[%swap3A, %swap3A_30], %add3A_29 {strides = array<i32>} : memref<2000x16xf32, #tpu.memory_space<vmem>>, vector<2000x16xf32>,
    return
  }
  func.func @transform_0(%arg0: i32) -> (i32, i32) {
    %c0_i32 = arith.constant 0 : i32
    %c0_i32_0 = arith.constant 0 : i32
    return %arg0, %c0_i32 : i32, i32
  }
  func.func @transform_1(%arg0: i32) -> (i32, i32) {
    %c0_i32 = arith.constant 0 : i32
    %c0_i32_0 = arith.constant 0 : i32
    return %arg0, %c0_i32 : i32, i32
  }
  func.func @transform_2(%arg0: i32) -> (i32, i32) {
    %c0_i32 = arith.constant 0 : i32
    %c0_i32_0 = arith.constant 0 : i32
    %c0_i32_1 = arith.constant 0 : i32
    return %c0_i32, %c0_i32_0 : i32, i32
  }
  func.func @transform_3(%arg0: i32) -> (i32, i32) {
    %c0_i32 = arith.constant 0 : i32
    %c0_i32_0 = arith.constant 0 : i32
    %c0_i32_1 = arith.constant 0 : i32
    return %c0_i32, %c0_i32_0 : i32, i32
  }
  func.func @transform_4(%arg0: i32) -> (i32, i32) {
    %c0_i32 = arith.constant 0 : i32
    %c0_i32_0 = arith.constant 0 : i32
    %c0_i32_1 = arith.constant 0 : i32
    return %c0_i32, %c0_i32_0 : i32, i32
  }
  func.func @transform_5(%arg0: i32) -> (i32, i32) {
    %c0_i32 = arith.constant 0 : i32
    %c0_i32_0 = arith.constant 0 : i32
    return %arg0, %c0_i32 : i32, i32
  }
}

module attributes {stable_mosaic.version = 14 : i64} {
  func.func @_rsum_body(%arg0: memref<32x160000xf32, #tpu.memory_space<vmem>>, %arg1: memref<160000xf32, #tpu.memory_space<vmem>>) attributes {dimension_semantics = [], scalar_prefetch = 0 : i64, scratch_operands = 0 : i64, tpu.core_type = #tpu.core_type<tc>} {
    %get3A = arith.constant 0 : index
    %get3A_0 = arith.constant 0 : index
    %get3A_1 = vector.load %arg0[%get3A, %get3A_0] : memref<32x160000xf32, #tpu.memory_space<vmem>>, vector<32x160000xf32>
    %reduce_sum3A = arith.constant dense<0.000000e+00> : vector<160000xf32>
    %reduce_sum3A_2 = vector.multi_reduction <add>, %get3A_1, %reduce_sum3A [0] : vector<32x160000xf32> to vector<160000xf32>
    %swap3A = arith.constant 0 : index
    %swap3A_3 = vector.load %arg1[%swap3A] : memref<160000xf32, #tpu.memory_space<vmem>>, vector<160000xf32>
    tpu.vector_store %arg1[%swap3A], %reduce_sum3A_2 {strides = array<i32>} : memref<160000xf32, #tpu.memory_space<vmem>>, vector<160000xf32>,
    return
  }
}

module attributes {stable_mosaic.version = 14 : i64} {
  func.func @_rcnt_body(%arg0: memref<32x10000xf32, #tpu.memory_space<vmem>>, %arg1: memref<10000x1xf32, #tpu.memory_space<vmem>>) attributes {dimension_semantics = [], scalar_prefetch = 0 : i64, scratch_operands = 0 : i64, tpu.core_type = #tpu.core_type<tc>} {
    %get3A = arith.constant 0 : index
    %get3A_0 = arith.constant 0 : index
    %get3A_1 = vector.load %arg0[%get3A, %get3A_0] : memref<32x10000xf32, #tpu.memory_space<vmem>>, vector<32x10000xf32>
    %reduce_sum3A = arith.constant dense<0.000000e+00> : vector<10000xf32>
    %reduce_sum3A_2 = vector.multi_reduction <add>, %get3A_1, %reduce_sum3A [0] : vector<32x10000xf32> to vector<10000xf32>
    %broadcast_in_dim3A = vector.shape_cast %reduce_sum3A_2 : vector<10000xf32> to vector<10000x1xf32>
    %swap3A = arith.constant 0 : index
    %swap3A_3 = arith.constant 0 : index
    %swap3A_4 = vector.load %arg1[%swap3A, %swap3A_3] : memref<10000x1xf32, #tpu.memory_space<vmem>>, vector<10000x1xf32>
    tpu.vector_store %arg1[%swap3A, %swap3A_3], %broadcast_in_dim3A {strides = array<i32>} : memref<10000x1xf32, #tpu.memory_space<vmem>>, vector<10000x1xf32>,
    return
  }
}

module attributes {stable_mosaic.version = 14 : i64} {
  func.func @_node_body(%arg0: i32, %arg1: memref<1000x256xf32, #tpu.memory_space<vmem>>, %arg2: memref<1000x16xf32, #tpu.memory_space<vmem>>, %arg3: memref<1000x1xf32, #tpu.memory_space<vmem>>, %arg4: memref<256x512xf32, #tpu.memory_space<vmem>>, %arg5: memref<16x512xf32, #tpu.memory_space<vmem>>, %arg6: memref<1x512xf32, #tpu.memory_space<vmem>>, %arg7: memref<512x256xf32, #tpu.memory_space<vmem>>, %arg8: memref<1x256xf32, #tpu.memory_space<vmem>>, %arg9: memref<1000x256xf32, #tpu.memory_space<vmem>>) attributes {dimension_semantics = [#tpu.dimension_semantics<arbitrary>], iteration_bounds = array<i64: 10>, scalar_prefetch = 0 : i64, scratch_operands = 0 : i64, tpu.core_type = #tpu.core_type<tc>, window_params = [{transform_indices = @transform_0, window_bounds = array<i64: 1000, 256>}, {transform_indices = @transform_1, window_bounds = array<i64: 1000, 16>}, {transform_indices = @transform_2, window_bounds = array<i64: 1000, 1>}, {pipeline_mode = #tpu.pipeline_mode<synchronous>, transform_indices = @transform_3, window_bounds = array<i64: 256, 512>}, {pipeline_mode = #tpu.pipeline_mode<synchronous>, transform_indices = @transform_4, window_bounds = array<i64: 16, 512>}, {pipeline_mode = #tpu.pipeline_mode<synchronous>, transform_indices = @transform_5, window_bounds = array<i64: 1, 512>}, {pipeline_mode = #tpu.pipeline_mode<synchronous>, transform_indices = @transform_6, window_bounds = array<i64: 512, 256>}, {pipeline_mode = #tpu.pipeline_mode<synchronous>, transform_indices = @transform_7, window_bounds = array<i64: 1, 256>}, {transform_indices = @transform_8, window_bounds = array<i64: 1000, 256>}]} {
    %get3A = arith.constant 0 : index
    %get3A_0 = arith.constant 0 : index
    %get3A_1 = vector.load %arg2[%get3A, %get3A_0] : memref<1000x16xf32, #tpu.memory_space<vmem>>, vector<1000x16xf32>
    %get3A_2 = arith.constant 0 : index
    %get3A_3 = arith.constant 0 : index
    %get3A_4 = vector.load %arg3[%get3A_2, %get3A_3] : memref<1000x1xf32, #tpu.memory_space<vmem>>, vector<1000x1xf32>
    %max3A = arith.constant 1.000000e+00 : f32
    %max3A_5 = vector.broadcast %max3A : f32 to vector<1000x1xf32>
    %max3A_6 = arith.maximumf %get3A_4, %max3A_5 : vector<1000x1xf32>
    %div3A = vector.broadcast %max3A_6 : vector<1000x1xf32> to vector<1000x16xf32>
    %div3A_7 = arith.divf %get3A_1, %div3A : vector<1000x16xf32>
    %get3A_8 = arith.constant 0 : index
    %get3A_9 = arith.constant 0 : index
    %get3A_10 = vector.load %arg1[%get3A_8, %get3A_9] : memref<1000x256xf32, #tpu.memory_space<vmem>>, vector<1000x256xf32>
    %get3A_11 = arith.constant 0 : index
    %get3A_12 = arith.constant 0 : index
    %get3A_13 = vector.load %arg4[%get3A_11, %get3A_12] : memref<256x512xf32, #tpu.memory_space<vmem>>, vector<256x512xf32>
    %dot_general3A = arith.constant dense<0.000000e+00> : vector<1000x512xf32>
    %dot_general3A_14 = tpu.matmul %get3A_10, %get3A_13, %dot_general3A {dimension_numbers = #tpu.dot_dimension_numbers<[1], [0], [0], [1], [0, 0, 1, 1], [], []>, transpose_lhs_hint = false} : vector<1000x256xf32>, vector<256x512xf32>, vector<1000x512xf32> -> vector<1000x512xf32>
    %get3A_15 = arith.constant 0 : index
    %get3A_16 = arith.constant 0 : index
    %get3A_17 = vector.load %arg5[%get3A_15, %get3A_16] : memref<16x512xf32, #tpu.memory_space<vmem>>, vector<16x512xf32>
    %dot_general3A_18 = arith.constant dense<0.000000e+00> : vector<1000x512xf32>
    %dot_general3A_19 = tpu.matmul %div3A_7, %get3A_17, %dot_general3A_18 {dimension_numbers = #tpu.dot_dimension_numbers<[1], [0], [0], [1], [0, 0, 1, 1], [], []>, transpose_lhs_hint = false} : vector<1000x16xf32>, vector<16x512xf32>, vector<1000x512xf32> -> vector<1000x512xf32>
    %add3A = arith.addf %dot_general3A_14, %dot_general3A_19 : vector<1000x512xf32>
    %get3A_20 = arith.constant 0 : index
    %get3A_21 = arith.constant 0 : index
    %get3A_22 = vector.load %arg6[%get3A_20, %get3A_21] : memref<1x512xf32, #tpu.memory_space<vmem>>, vector<1x512xf32>
    %add3A_23 = vector.broadcast %get3A_22 : vector<1x512xf32> to vector<1000x512xf32>
    %add3A_24 = arith.addf %add3A, %add3A_23 : vector<1000x512xf32>
    %max3A_25 = arith.constant 0.000000e+00 : f32
    %max3A_26 = vector.broadcast %max3A_25 : f32 to vector<1000x512xf32>
    %max3A_27 = arith.maximumf %add3A_24, %max3A_26 : vector<1000x512xf32>
    %get3A_28 = arith.constant 0 : index
    %get3A_29 = arith.constant 0 : index
    %get3A_30 = vector.load %arg7[%get3A_28, %get3A_29] : memref<512x256xf32, #tpu.memory_space<vmem>>, vector<512x256xf32>
    %dot_general3A_31 = arith.constant dense<0.000000e+00> : vector<1000x256xf32>
    %dot_general3A_32 = tpu.matmul %max3A_27, %get3A_30, %dot_general3A_31 {dimension_numbers = #tpu.dot_dimension_numbers<[1], [0], [0], [1], [0, 0, 1, 1], [], []>, transpose_lhs_hint = false} : vector<1000x512xf32>, vector<512x256xf32>, vector<1000x256xf32> -> vector<1000x256xf32>
    %get3A_33 = arith.constant 0 : index
    %get3A_34 = arith.constant 0 : index
    %get3A_35 = vector.load %arg8[%get3A_33, %get3A_34] : memref<1x256xf32, #tpu.memory_space<vmem>>, vector<1x256xf32>
    %add3A_36 = vector.broadcast %get3A_35 : vector<1x256xf32> to vector<1000x256xf32>
    %add3A_37 = arith.addf %dot_general3A_32, %add3A_36 : vector<1000x256xf32>
    %swap3A = arith.constant 0 : index
    %swap3A_38 = arith.constant 0 : index
    %swap3A_39 = vector.load %arg9[%swap3A, %swap3A_38] : memref<1000x256xf32, #tpu.memory_space<vmem>>, vector<1000x256xf32>
    tpu.vector_store %arg9[%swap3A, %swap3A_38], %add3A_37 {strides = array<i32>} : memref<1000x256xf32, #tpu.memory_space<vmem>>, vector<1000x256xf32>,
    return
  }
  func.func @transform_0(%arg0: i32) -> (i32, i32) {
    %c0_i32 = arith.constant 0 : i32
    %c0_i32_0 = arith.constant 0 : i32
    return %arg0, %c0_i32 : i32, i32
  }
  func.func @transform_1(%arg0: i32) -> (i32, i32) {
    %c0_i32 = arith.constant 0 : i32
    %c0_i32_0 = arith.constant 0 : i32
    return %arg0, %c0_i32 : i32, i32
  }
  func.func @transform_2(%arg0: i32) -> (i32, i32) {
    %c0_i32 = arith.constant 0 : i32
    %c0_i32_0 = arith.constant 0 : i32
    return %arg0, %c0_i32 : i32, i32
  }
  func.func @transform_3(%arg0: i32) -> (i32, i32) {
    %c0_i32 = arith.constant 0 : i32
    %c0_i32_0 = arith.constant 0 : i32
    %c0_i32_1 = arith.constant 0 : i32
    return %c0_i32, %c0_i32_0 : i32, i32
  }
  func.func @transform_4(%arg0: i32) -> (i32, i32) {
    %c0_i32 = arith.constant 0 : i32
    %c0_i32_0 = arith.constant 0 : i32
    %c0_i32_1 = arith.constant 0 : i32
    return %c0_i32, %c0_i32_0 : i32, i32
  }
  func.func @transform_5(%arg0: i32) -> (i32, i32) {
    %c0_i32 = arith.constant 0 : i32
    %c0_i32_0 = arith.constant 0 : i32
    %c0_i32_1 = arith.constant 0 : i32
    return %c0_i32, %c0_i32_0 : i32, i32
  }
  func.func @transform_6(%arg0: i32) -> (i32, i32) {
    %c0_i32 = arith.constant 0 : i32
    %c0_i32_0 = arith.constant 0 : i32
    %c0_i32_1 = arith.constant 0 : i32
    return %c0_i32, %c0_i32_0 : i32, i32
  }
  func.func @transform_7(%arg0: i32) -> (i32, i32) {
    %c0_i32 = arith.constant 0 : i32
    %c0_i32_0 = arith.constant 0 : i32
    %c0_i32_1 = arith.constant 0 : i32
    return %c0_i32, %c0_i32_0 : i32, i32
  }
  func.func @transform_8(%arg0: i32) -> (i32, i32) {
    %c0_i32 = arith.constant 0 : i32
    %c0_i32_0 = arith.constant 0 : i32
    return %arg0, %c0_i32 : i32, i32
  }
}

</mosaic_0001>

<sc_bundles>
// kernel: kernel.12.cloned.1.call-start
scs
__scs_entry_jumppad:
0x0: {  	(pc) =	sbr.rel $0x88, $3  }
0x1: {  	(tag) =	ssettag $0x0;
	lr =	simm.s32 $0x1  }
0x2: {  	[smem:$0x3F96] =	sst lr;
	_ =	strace $0xD0000000  }
0x3: {  	_ = 	snop  }
0x4: {  	_ = 	snop  }
0x5: {  	_ = 	snop  }
0x6: {  	_ = 	snop  }
0x7: {  	_ = 	snop  }
__scs_overlays_trampoline_lowered:
0x8: {  	[smem:$0x3FA5] =	sst s0  }
0x9: {  	[smem:$0x3FA6] =	sst s1  }
0xa: {  	[smem:$0x3FA7] =	sst s2  }
0xb: {  	[smem:$0x3FA8] =	sst s3  }
0xc: {  	[smem:$0x3FA9] =	sst s4  }
0xd: {  	[smem:$0x3FAA] =	sst s5  }
0xe: {  	[smem:$0x3FAB] =	sst s6  }
0xf: {  	[smem:$0x3FAC] =	sst s7  }
0x10: {  	[smem:$0x3FAD] =	sst s8  }
0x11: {  	[smem:$0x3FAE] =	sst s9;
	s0 =	simm.s32 @!p0 $0x0  }
0x12: {  	s1 =	sld [smem:$0x3F94];
	s0 =	simm.s32 @p0 $0x1  }
0x13: {  	[smem:$0x3FAF] =	sst s0;
	s0 =	simm.s32 @!p1 $0x0  }
0x14: {  	s2 =	sld [smem:$0x3F93];
	s0 =	simm.s32 @p1 $0x1  }
0x15: {  	[smem:$0x3FB0] =	sst s0;
	s0 =	simm.s32 @!p2 $0x0  }
0x16: {  	s3 =	sld [smem:$0x3FDB];
	s0 =	simm.s32 @p2 $0x1  }
0x17: {  	s4 =	simm.s32 $0x1BF5;
	[smem:$0x3FB2] =	sst s0  }
0x18: {  	s0 =	sld [smem:$0x3F95];
	_ =	swait.ge [sflag:s4], $0x0  }
0x19: {  	s7 =	sld [smem:$0x3F96]  }
0x1a: {  	s8 =	sadd.s32 $0xFFFFE003, lr  }
0x1b: {  	s9 =	sadd.s32 $0xFFFFFEF7, lr;
	s5 =	simm.s32 $0xFFFFFFFF;
	p2 =	slt.u32 s8, $0xFFFFF086  }
0x1c: {  	p1 =	slt.u32 s9, $0xF7A;
	s5 =	simm.s32 @!p2 $0x0  }
0x1d: {  	s5 =	simm.s32 @p1 $0x1;
	p0 =	seq.s32 s7, s2  }
0x1e: {  	s7 =	smul.u32 @!p0 $0xF7A, s2;
	p2 =	seq.s32 @!p0 s5, $0x0  }
0x1f: {  	s9 =	smul.u32 $0xF7A, s1;
	s8 =	simm.s32 @!p0 $0x1BF5;
	p2 =	por !p2, p0  }
0x20: {  	[sflag:s8] =	ssyncset.s32 @!p0 $0xFFFFF086;
	s6 =	sadd.s32 @!p0 s3, s7;
	s7 =	simm.s32 @!p0 $0x108  }
0x21: {  	s3 =	sadd.s32 s3, s9;
	s6 =	sadd.s32 @!p0 $0x88, s6;
	s7 =	simm.s32 @p2 $0x1082  }
0x22: {  	[simem:s7], [sflag:s8] =	dma.local @!p0 [hbm:s6], $0xF7A  }
0x23: {  	s9 =	sor.u32 $0xD0000000, s2;
	s6 =	simm.s32 $0x108;
	_ =	swait.ge @!p0 [sflag:s8], $0x0  }
0x24: {  	s3 =	sadd.s32 $0x88, s3;
	s6 =	simm.s32 @!p1 $0x1082;
	[sflag:s4] =	ssyncset.s32 $0xFFFFF086  }
0x25: {  	[simem:s6], [sflag:s4] =	dma.local [hbm:s3], $0xF7A  }
0x26: {  	[smem:$0x3F96] =	sst s1;
	(tag) =	ssettag s2;
	_ =	strace s9  }
0x27: {  	s1 =	sld [smem:$0x3FA6]  }
0x28: {  	s2 =	sld [smem:$0x3FA7]  }
0x29: {  	s4 =	sld [smem:$0x3FA9]  }
0x2a: {  	p0 =	seq.s32 s5, $0x0;
	s5 =	sld [smem:$0x3FAA]  }
0x2b: {  	s6 =	sld [smem:$0x3FAB]  }
0x2c: {  	s7 =	sld [smem:$0x3FAC]  }
0x2d: {  	s3 =	simm.s32 $0x108;
	s8 =	sld [smem:$0x3FAD]  }
0x2e: {  	s3 =	simm.s32 @!p0 $0x1082;
	s9 =	sld [smem:$0x3FAE]  }
0x2f: {  	lr =	sadd.s32 s0, s3;
	s0 =	sld [smem:$0x3FA5]  }
0x30: {  	s3 =	sld [smem:$0x3FA8]  }
0x31: {  	[smem:$0x3FB1] =	sst s10  }
0x32: {  	s10 =	sld [smem:$0x3FAF];
	_ =	sdelay $0x3  }
0x33: {  	p0 =	seq.s32 s10, $0x1;
	s10 =	sld [smem:$0x3FB1];
	_ =	sdelay $0x3  }
0x34: {  	[smem:$0x3FB1] =	sst s10  }
0x35: {  	s10 =	sld [smem:$0x3FB0];
	_ =	sdelay $0x3  }
0x36: {  	p1 =	seq.s32 s10, $0x1;
	s10 =	sld [smem:$0x3FB1];
	_ =	sdelay $0x3  }
0x37: {  	[smem:$0x3FB1] =	sst s10  }
0x38: {  	s10 =	sld [smem:$0x3FB2]  }
0x39: {  	_ = 	snop;
	(pc) =	sbr.ind lr, $3  }
0x3a: {  	_ = 	snop  }
0x3b: {  	_ = 	snop  }
0x3c: {  	p2 =	seq.s32 s10, $0x1;
	s10 =	sld [smem:$0x3FB1]  }
0x3d: {  	_ =	shalt  }
0x3e: {  	_ =	shalt  }
0x3f: {  	_ =	shalt  }
0x40: {  	_ =	shalt  }
0x41: {  	_ =	shalt  }
0x42: {  	_ =	shalt  }
0x43: {  	_ =	shalt  }
0x44: {  	_ =	shalt  }
0x45: {  	_ =	shalt  }
0x46: {  	_ =	shalt  }
0x47: {  	_ =	shalt  }
0x48: {  	_ =	shalt  }
0x49: {  	_ =	shalt  }
0x4a: {  	_ =	shalt  }
0x4b: {  	_ =	shalt  }
0x4c: {  	_ =	shalt  }
0x4d: {  	_ =	shalt  }
0x4e: {  	_ =	shalt  }
0x4f: {  	_ =	shalt  }
0x50: {  	_ =	shalt  }
0x51: {  	_ =	shalt  }
0x52: {  	_ =	shalt  }
0x53: {  	_ =	shalt  }
0x54: {  	_ =	shalt  }
0x55: {  	_ =	shalt  }
0x56: {  	_ =	shalt  }
0x57: {  	_ =	shalt  }
0x58: {  	_ =	shalt  }
0x59: {  	_ =	shalt  }
0x5a: {  	_ =	shalt  }
0x5b: {  	_ =	shalt  }
0x5c: {  	_ =	shalt  }
0x5d: {  	_ =	shalt  }
0x5e: {  	_ =	shalt  }
0x5f: {  	_ =	shalt  }
0x60: {  	_ =	shalt  }
0x61: {  	_ =	shalt  }
0x62: {  	_ =	shalt  }
0x63: {  	_ =	shalt  }
0x64: {  	_ =	shalt  }
0x65: {  	_ =	shalt  }
0x66: {  	_ =	shalt  }
0x67: {  	_ =	shalt  }
0x68: {  	_ =	shalt  }
0x69: {  	_ =	shalt  }
0x6a: {  	_ =	shalt  }
0x6b: {  	_ =	shalt  }
0x6c: {  	_ =	shalt  }
0x6d: {  	_ =	shalt  }
0x6e: {  	_ =	shalt  }
0x6f: {  	_ =	shalt  }
0x70: {  	_ =	shalt  }
0x71: {  	_ =	shalt  }
0x72: {  	_ =	shalt  }
0x73: {  	_ =	shalt  }
0x74: {  	_ =	shalt  }
0x75: {  	_ =	shalt  }
0x76: {  	_ =	shalt  }
0x77: {  	_ =	shalt  }
0x78: {  	_ =	shalt  }
0x79: {  	_ =	shalt  }
0x7a: {  	_ =	shalt  }
0x7b: {  	_ =	shalt  }
0x7c: {  	_ =	shalt  }
0x7d: {  	_ =	shalt  }
0x7e: {  	_ =	shalt  }
0x7f: {  	_ =	shalt  }
0x80: {  	_ =	shalt  }
0x81: {  	_ =	shalt  }
0x82: {  	_ =	shalt  }
0x83: {  	_ =	shalt  }
0x84: {  	_ =	shalt  }
0x85: {  	_ =	shalt  }
0x86: {  	_ =	shalt  }
0x87: {  	_ =	shalt  }
.Lfunc_end0:
.L_simem_size_0:
called_computation.1_lowered:
.L_overlay_start_0:
0x88: {  	s2 =	sld [smem:$0x3FD9]  }
0x89: {  	s3 =	sld [smem:$0x3FFE];
	_ =	sdelay $0x1  }
0x8a: {  	s1 =	srdreg.scid  }
0x8b: {  	s0 =	sand.u32 $0x1, s1  }
0x8c: {  	s14 =	sshll.u32 s0, $0xA;
	s2 =	sadd.s32 s3, s2  }
0x8d: {  	s2 =	sadd.s32 s2, s14  }
0x8e: {  	[smem:$0x3FBD] =	sst s2  }
0x8f: {  	_ = 	snop  }
0x90: {  	s2 =	sld [smem:$0x3FD0];
	_ =	sdelay $0x2  }
0x91: {  	s15 =	simm.s32 $0xA;
	s4 =	simm.s32 $0x10  }
0x92: {  	[smem:s4], [sflag:s15] =	dma.local [hbm:s2], $0x1  }
0x93: {  	_ =	swait.eq [sflag:s15], $0x1  }
0x94: {  	[sflag:s15] =	ssyncset.done $0x0  }
0x95: {  	[sflag:s15] =	ssyncadd.s32 $0xFFFFFFFF  }
0x96: {  	s16 =	sld [smem:$0x11];
	(tm) =	ssettm $0x1  }
0x97: {  	s17 =	sld [smem:$0x3FFB];
	_ =	sdelay $0x3  }
0x98: {  	_ =	strace s17  }
0x99: {  	s3 =	sld [smem:$0x3FFC];
	_ =	sdelay $0x3  }
0x9a: {  	_ =	strace s3  }
0x9b: {  	s3 =	sld [smem:$0x3FFD];
	_ =	sdelay $0x3  }
0x9c: {  	_ =	strace s3  }
0x9d: {  	_ =	strace $0x8FFFFFFF  }
0x9e: {  	s18 =	sld [smem:$0x3FDB];
	_ =	sdelay $0x1  }
0x9f: {  	s19 =	simm.s32 $_scs_section_size  }
0xa0: {  	s5 =	simm.s32 $_size__tile_overlayer_lowered;
	s6 =	simm.s32 $_tile_overlayer_lowered  }
0xa1: {  	s22 =	simm.s32 $0x1BFF;
	s21 =	sshll.u32 s6, $0x1;
	s3 =	sadd.s32 s19, s18  }
0xa2: {  	s7 =	simm.s32 $0x0;
	s20 =	sshll.u32 s5, $0x1;
	s5 =	sadd.s32 s21, s3  }
0xa3: {  	[timem:s7], [sflag:s22] =	dma.local [hbm:s5], s20  }
0xa4: {  	_ =	swait.ge [sflag:s22], s20  }
0xa5: {  	s4 =	ssub.s32 $0x0, s20;
	[sflag:s22] =	ssyncset.done $0x0  }
0xa6: {  	[sflag:s22] =	ssyncadd.s32 s4;
	_ =	sdelay $0x1  }
0xa7: {  	s23 =	simm.s32 $0x1B8B  }
0xa8: {  	_ =	swait.ge [sflag:s23], $0x1  }
0xa9: {  	[sflag:s23] =	ssyncset.done $0x0  }
0xaa: {  	s25 =	simm.s32 $0x1B8E;
	s24 =	sld [smem:$0x3FFE];
	[sflag:s23] =	ssyncadd.s32 $0xFFFFFFFF  }
0xab: {  	s26 =	simm.s32 $execute0_lowered;
	[smem:$0x3FD2] =	sst s25  }
0xac: {  	s5 =	sshll.u32 s26, $0x1;
	_ =	strace $0x80000049;
	[dreg:$0x1] =	wrdreg $0xFFFFFFFF  }
0xad: {  	s28 =	simm.s32 $_size_execute0_lowered;
	s3 =	sadd.s32 s3, s5;
	[dreg:$0x0] =	wrdreg $0x0  }
0xae: {  	s5 =	sshll.u32 s28, $0x1;
	[dreg:$0x2] =	wrdreg s3  }
0xaf: {  	[dreg:$0x3] =	wrdreg s5  }
0xb0: {  	[dreg:$0x4] =	wrdreg $0xC0  }
0xb1: {  	_ =	task [dreg:s7], $0x5FFFF  }
0xb2: {  	[dreg:$0x1] =	wrdreg $0xFFFFFFFF  }
0xb3: {  	[dreg:$0x0] =	wrdreg $0x60  }
0xb4: {  	[dreg:$0x2] =	wrdreg s16  }
0xb5: {  	[dreg:$0x3] =	wrdreg s24  }
0xb6: {  	[dreg:$0x4] =	wrdreg $0x9  }
0xb7: {  	_ =	task.clear_ibuf [dreg:s7], $0x5FFFF;
	_ =	strace $0x90000049  }
0xb8: {  	s29 =	simm.s32 $0x9;
	_ =	strace $0x8000004B  }
0xb9: {  	_ =	swait.ge [sflag:s29], $0x1  }
0xba: {  	[sflag:s29] =	ssyncadd.s32 $0xFFFFFFFF  }
0xbb: {  	_ =	strace $0x9000004B  }
0xbc: {  	_ =	sfence  }
0xbd: {  	s30 =	sld [smem:$0x0];
	_ =	sdelay $0x2  }
0xbe: {  	s31 =	sshll.u32 s1, $0xD;
	s1 =	sshrl.u32 s1, $0x2  }
0xbf: {  	s3 =	sand.u32 $0x4000, s31;
	s1 =	sadd.s32 s1, s30  }
0xc0: {  	s0 =	sor.u32 s3, s0;
	s1 =	sshll.u32 s1, $0x11  }
0xc1: {  	s0 =	sor.u32 s1, s0  }
0xc2: {  	s0 =	sadd.s32 $0x8F2B, s0  }
0xc3: {  	[sflag:s0] =	ssyncadd.remote.s32 $0x1  }
0xc4: {  	_ =	sfence.sel $0xFFFF  }
0xc5: {  	[dreg:$0x0] =	wrdreg $0xFFFFFFFF;
	(pc) =	sbr.abs _section_cstart, $3  }
0xc6: {  	[dreg:$0x1] =	wrdreg $0xFFFFFFFF  }
0xc7: {  	_ =	task.clear_ibuf [dreg:s7], $0x2FFFF;
	_ =	strace $0x9FFFFFFF  }
0xc8: {  	(tm) =	ssettm $0x7FFFFFFF  }
0xc9: {  	_ =	shalt  }
tec
execute0_lowered:
.L_overlay_start_1:
0x0: {  	(tag) =	ssettag $0x1  }
0x1: {  	s1 =	srdreg.scid  }
0x2: {  	s0 =	stileid.u32;
	s2 =	rddreg [dreg:$0x0]  }
0x3: {  	s9 =	rddreg [dreg:$0x1];
	s3 =	simm.s32 $0x0;
	s14 =	simm.s32 $0x1  }
0x4: {  	s15 =	simm.s32 $0xC80;
	s16 =	simm.s32 $0x2D00;
	s17 =	simm.s32 $0x16600  }
0x5: {  	s5 =	sand.u32 $0x1, s1;
	s29 =	sshll.u32 s0, $0x1;
	s1 =	rddreg [dreg:$0x2]  }
0x6: {  	s18 =	simm.s32 $0x0;
	[smem:$0x7FF] =	sst s3;
	s6 =	sor.u32 s5, s29  }
0x7: {  	s4 =	sadd.s32 $0xC42C00, s9;
	s5 =	ssub.s32 $0x2, s5;
	s7 =	smul.u32 $0x27100, s6  }
0x8: {  	s11 =	sadd.s32 $0xA73000, s9;
	s8 =	smul.u32 $0x272, s6;
	s30 =	sshrl.u32 s5, $0x1  }
0x9: {  	_ =	strace $0x8000004A;
	s12 =	smul.u32 $0x2710, s6;
	s13 =	ssub.s32 s5, s30  }
0xa: {  	s5 =	smul.u32 $0x1388, s6;
	s7 =	sshrl.u32 s7, $0x3;
	s8 =	sadd.s32 s8, s9  }
0xb: {  	s31 =	sshrl.u32 s12, $0x3;
	s12 =	sadd.s32 $0x1388, s12;
	s10 =	sadd.s32 s7, s9  }
0xc: {  	s6 =	sadd.s32 $0x760C00, s8;
	s8 =	sadd.s32 s11, s31;
	s9 =	sadd.s32 $0xC90E00, s9  }
0xd: {  	v1 =	vlaneseq.u32;
	s12 =	sshrl.u32 s12, $0x3;
	s7 =	sadd.s32 $0x9D6C00, s10;
	s10 =	sadd.s32 $0x9D9310, s10  }
0xe: {  	v0 =	vimm.f32 $0.0e+00;
	v2 =	vimm.f32 $1.000000000e+00;
	v1 =	vadd.s32 $0x1388, v1;
	s11 =	sadd.s32 s11, s12;
	s12 =	smax.u32 s13, $0x1;
	s13 =	simm.s32 $0x1900  }
.LBB2_1:
0xf: {  	[tilespmem:s13], [sflag:$0x1] =	stream.linear.gather [hbm4b:s6+s3], $0x1390, $0x38;
	[tilespmem:$0x17A00] =	vst v63  }
0x10: {  	_ =	swait.ge [sflag:s14], $0x1390  }
0x11: {  	[sflag:s14] =	ssyncset.done $0x0  }
0x12: {  	s19 =	simm.s32 $0x40;
	s20 =	simm.s32 $0x0;
	[sflag:s14] =	ssyncadd.s32 $0xFFFFEC70  }
.LBB2_2:
0x13: {  	p0 =	sne.s32 s19, $0x4E200;
	[tilespmem:s20+$0x2D00] =	vst v0;
	s20 =	smov.u32 s19;
	s19 =	sadd.s32 $0x40, s19  }
.Ltmp0:
0x14: {  	(pc) =	sbr.rel @p0 .LBB2_2-.Ltmp0, $2  }
0x15: {  	_ =	sdelay $0x2  }
0x16: {  	s20 =	sshra.s32 s20, $0x2  }
0x17: {  	[tilespmem:s20+$0x2D00] =	vst v0;
	s19 =	simm.s32 $0x0;
	s20 =	simm.s32 $0x40;
	s21 =	simm.s32 $0x0  }
.LBB2_4:
0x18: {  	p0 =	sne.s32 s20, $0x4E00;
	[tilespmem:s21+$0x16600] =	vst v0;
	s21 =	smov.u32 s20;
	s20 =	sadd.s32 $0x40, s20  }
.Ltmp1:
0x19: {  	(pc) =	sbr.rel @p0 .LBB2_4-.Ltmp1, $2  }
0x1a: {  	_ =	sdelay $0x2  }
0x1b: {  	s21 =	sshra.s32 s21, $0x2  }
0x1c: {  	[tilespmem:s21+$0x16600] =	vst v0  }
.LBB2_6:
0x1d: {  	s20 =	smul.u32 $0xC8, s19;
	_ =	sdelay $0x1  }
0x1e: {  	s20 =	sadd.s32 s5, s20  }
0x1f: {  	s21 =	sshll.u32 s20, $0x1  }
0x20: {  	s20 =	simm.s32 $0x0;
	s22 =	sadd.s32 s2, s21  }
0x21: {  	[tilespmem:s20], [sflag:$0x1] =	stream.linear.gather [hbm4b:s22+s20], $0xC80, $0x38;
	[tilespmem:$0x17A00] =	vst v63  }
0x22: {  	_ =	swait.ge [sflag:s14], $0xC80  }
0x23: {  	[sflag:s14] =	ssyncset.done $0x0  }
0x24: {  	s21 =	sadd.s32 s4, s21;
	[sflag:s14] =	ssyncadd.s32 $0xFFFFF380  }
0x25: {  	[tilespmem:s15], [sflag:$0x1] =	stream.linear.gather [hbm4b:s21+s20], $0xC80, $0x38;
	[tilespmem:$0x17A00] =	vst v63  }
0x26: {  	_ =	swait.ge [sflag:s14], $0xC80  }
0x27: {  	[sflag:s14] =	ssyncset.done $0x0  }
0x28: {  	[sflag:s14] =	ssyncadd.s32 $0xFFFFF380  }
.LBB2_7:
0x29: {  	s21 =	sshra.s32 s20, $0x2  }
0x2a: {  	v3 =	vld [tilespmem:s21+$0xC80];
	_ =	sdelay $0x2  }
0x2b: {  	v4 =	vld [tilespmem:s21+$0x0];
	_ =	sdelay $0x4  }
0x2c: {  	[tilespmem:v3+s16+$0x0] =	vst.idx.add.f32.msk $0xffff, v4  }
0x2d: {  	v3 =	vld [tilespmem:s21+$0xC90];
	_ =	sdelay $0x2  }
0x2e: {  	v4 =	vld [tilespmem:s21+$0x10];
	_ =	sdelay $0x4  }
0x2f: {  	[tilespmem:v3+s16+$0x0] =	vst.idx.add.f32.msk $0xffff, v4  }
0x30: {  	v3 =	vld [tilespmem:s21+$0xCA0];
	_ =	sdelay $0x2  }
0x31: {  	v4 =	vld [tilespmem:s21+$0x20];
	_ =	sdelay $0x4  }
0x32: {  	[tilespmem:v3+s16+$0x0] =	vst.idx.add.f32.msk $0xffff, v4  }
0x33: {  	v3 =	vld [tilespmem:s21+$0xCB0];
	_ =	sdelay $0x2  }
0x34: {  	p0 =	sne.s32 s20, $0x3100;
	v4 =	vld [tilespmem:s21+$0x30]  }
.Ltmp2:
0x35: {  	_ = 	snop;
	(pc) =	sbr.rel @p0 .LBB2_7-.Ltmp2, $2  }
0x36: {  	_ =	sdelay $0x2  }
0x37: {  	s20 =	sadd.s32 $0x100, s20;
	[tilespmem:v3+s16+$0x0] =	vst.idx.add.f32.msk $0xffff, v4  }
0x38: {  	s19 =	sadd.s32 $0x1, s19  }
0x39: {  	p0 =	sne.s32 s19, $0x19  }
.Ltmp3:
0x3a: {  	_ = 	snop;
	(pc) =	sbr.rel @p0 .LBB2_6-.Ltmp3, $1  }
0x3b: {  	_ =	sdelay $0x3  }
0x3c: {  	s20 =	simm.s32 $0x0;
	s19 =	simm.s32 $0x40  }
.LBB2_10:
0x3d: {  	p0 =	sne.s32 s19, $0x4E00;
	v3 =	vld [tilespmem:s20+$0x1900];
	_ =	sdelay $0x4  }
0x3e: {  	vm0 =	vlt.u32 v3, $0x1388  }
0x3f: {  	v3 =	vsel vm0, v3, v1  }
.Ltmp4:
0x40: {  	(pc) =	sbr.rel @p0 .LBB2_10-.Ltmp4, $2  }
0x41: {  	_ =	sdelay $0x2  }
0x42: {  	s20 =	sshra.s32 s19, $0x2;
	s19 =	sadd.s32 $0x40, s19;
	[tilespmem:v3+s17+$0x0] =	vst.idx.add.f32.msk $0xffff, v2  }
0x43: {  	v3 =	vld [tilespmem:s20+$0x1900];
	_ =	sdelay $0x4  }
0x44: {  	vm0 =	vlt.u32 v3, $0x1388  }
0x45: {  	v3 =	vsel vm0, v3, v1;
	_ =	sdelay $0x4  }
0x46: {  	s19 =	simm.s32 $0x0;
	[tilespmem:v3+s17+$0x0] =	vst.idx.add.f32.msk $0xffff, v2  }
0x47: {  	[hbm4b:s7+s19] =	stream.linear.scatter [tilespmem:s16], [sflag:$0x1], $0x13880, $0x38;
	[tilespmem:$0x17A00] =	vst v63  }
0x48: {  	_ =	swait.ge [sflag:s14], $0x13880  }
0x49: {  	[sflag:s14] =	ssyncset.done $0x0  }
0x4a: {  	[sflag:s14] =	ssyncadd.s32 $0xFFFEC780  }
0x4b: {  	[hbm4b:s8+s19] =	stream.linear.scatter [tilespmem:s17], [sflag:$0x1], $0x1388, $0x38;
	[tilespmem:$0x17A00] =	vst v63  }
0x4c: {  	_ =	swait.ge [sflag:s14], $0x1388  }
0x4d: {  	[sflag:s14] =	ssyncset.done $0x0  }
0x4e: {  	s20 =	simm.s32 $0x0;
	s19 =	simm.s32 $0x40;
	[sflag:s14] =	ssyncadd.s32 $0xFFFFEC78  }
.LBB2_12:
0x4f: {  	p0 =	sne.s32 s19, $0x4E200;
	[tilespmem:s20+$0x2D00] =	vst v0;
	s20 =	smov.u32 s19;
	s19 =	sadd.s32 $0x40, s19  }
.Ltmp5:
0x50: {  	(pc) =	sbr.rel @p0 .LBB2_12-.Ltmp5, $2  }
0x51: {  	_ =	sdelay $0x2  }
0x52: {  	s20 =	sshra.s32 s20, $0x2  }
0x53: {  	[tilespmem:s20+$0x2D00] =	vst v0;
	s19 =	simm.s32 $0x40;
	s20 =	simm.s32 $0x0  }
.LBB2_14:
0x54: {  	p0 =	sne.s32 s19, $0x4E00;
	[tilespmem:s20+$0x16600] =	vst v0;
	s20 =	smov.u32 s19;
	s19 =	sadd.s32 $0x40, s19  }
.Ltmp6:
0x55: {  	(pc) =	sbr.rel @p0 .LBB2_14-.Ltmp6, $2  }
0x56: {  	_ =	sdelay $0x2  }
0x57: {  	s20 =	sshra.s32 s20, $0x2  }
0x58: {  	[tilespmem:s20+$0x16600] =	vst v0;
	s19 =	simm.s32 $0x0;
	s20 =	simm.s32 $0x0  }
.LBB2_16:
0x59: {  	s21 =	smul.u32 $0xC8, s20;
	_ =	sdelay $0x1  }
0x5a: {  	s21 =	sadd.s32 s5, s21  }
0x5b: {  	s21 =	sshll.u32 s21, $0x1  }
0x5c: {  	s22 =	sadd.s32 s2, s21  }
0x5d: {  	[tilespmem:s19], [sflag:$0x1] =	stream.linear.gather [hbm4b:s22+s19], $0xC80, $0x38;
	[tilespmem:$0x17A00] =	vst v63  }
0x5e: {  	_ =	swait.ge [sflag:s14], $0xC80  }
0x5f: {  	[sflag:s14] =	ssyncset.done $0x0  }
0x60: {  	s21 =	sadd.s32 s21, s9;
	[sflag:s14] =	ssyncadd.s32 $0xFFFFF380  }
0x61: {  	[tilespmem:s15], [sflag:$0x1] =	stream.linear.gather [hbm4b:s21+s19], $0xC80, $0x38;
	[tilespmem:$0x17A00] =	vst v63  }
0x62: {  	_ =	swait.ge [sflag:s14], $0xC80  }
0x63: {  	[sflag:s14] =	ssyncset.done $0x0  }
0x64: {  	s21 =	simm.s32 $0x0;
	[sflag:s14] =	ssyncadd.s32 $0xFFFFF380  }
.LBB2_17:
0x65: {  	s22 =	sshra.s32 s21, $0x2  }
0x66: {  	v3 =	vld [tilespmem:s22+$0xC80];
	_ =	sdelay $0x2  }
0x67: {  	v4 =	vld [tilespmem:s22+$0x0];
	_ =	sdelay $0x4  }
0x68: {  	[tilespmem:v3+s16+$0x0] =	vst.idx.add.f32.msk $0xffff, v4  }
0x69: {  	v3 =	vld [tilespmem:s22+$0xC90];
	_ =	sdelay $0x2  }
0x6a: {  	v4 =	vld [tilespmem:s22+$0x10];
	_ =	sdelay $0x4  }
0x6b: {  	[tilespmem:v3+s16+$0x0] =	vst.idx.add.f32.msk $0xffff, v4  }
0x6c: {  	v3 =	vld [tilespmem:s22+$0xCA0];
	_ =	sdelay $0x2  }
0x6d: {  	v4 =	vld [tilespmem:s22+$0x20];
	_ =	sdelay $0x4  }
0x6e: {  	[tilespmem:v3+s16+$0x0] =	vst.idx.add.f32.msk $0xffff, v4  }
0x6f: {  	v3 =	vld [tilespmem:s22+$0xCB0];
	_ =	sdelay $0x2  }
0x70: {  	p0 =	sne.s32 s21, $0x3100;
	v4 =	vld [tilespmem:s22+$0x30]  }
.Ltmp7:
0x71: {  	_ = 	snop;
	(pc) =	sbr.rel @p0 .LBB2_17-.Ltmp7, $2  }
0x72: {  	_ =	sdelay $0x2  }
0x73: {  	s21 =	sadd.s32 $0x100, s21;
	[tilespmem:v3+s16+$0x0] =	vst.idx.add.f32.msk $0xffff, v4  }
0x74: {  	s20 =	sadd.s32 $0x1, s20  }
0x75: {  	p0 =	sne.s32 s20, $0x19  }
.Ltmp8:
0x76: {  	_ = 	snop;
	(pc) =	sbr.rel @p0 .LBB2_16-.Ltmp8, $1  }
0x77: {  	_ =	sdelay $0x3  }
0x78: {  	s20 =	simm.s32 $0x0;
	s19 =	simm.s32 $0x40  }
.LBB2_20:
0x79: {  	p0 =	sne.s32 s19, $0x4E00;
	v3 =	vld [tilespmem:s20+$0x1900];
	_ =	sdelay $0x4  }
0x7a: {  	v3 =	vadd.s32 $0xFFFFEC78, v3  }
0x7b: {  	vm0 =	vlt.u32 v3, $0x1388  }
0x7c: {  	v3 =	vsel vm0, v3, v1  }
.Ltmp9:
0x7d: {  	(pc) =	sbr.rel @p0 .LBB2_20-.Ltmp9, $2  }
0x7e: {  	_ =	sdelay $0x2  }
0x7f: {  	s20 =	sshra.s32 s19, $0x2;
	s19 =	sadd.s32 $0x40, s19;
	[tilespmem:v3+s17+$0x0] =	vst.idx.add.f32.msk $0xffff, v2  }
0x80: {  	v3 =	vld [tilespmem:s20+$0x1900];
	_ =	sdelay $0x4  }
0x81: {  	v3 =	vadd.s32 $0xFFFFEC78, v3  }
0x82: {  	vm0 =	vlt.u32 v3, $0x1388  }
0x83: {  	v3 =	vsel vm0, v3, v1;
	_ =	sdelay $0x4  }
0x84: {  	[tilespmem:v3+s17+$0x0] =	vst.idx.add.f32.msk $0xffff, v2  }
0x85: {  	[hbm4b:s10+s3] =	stream.linear.scatter [tilespmem:s16], [sflag:$0x1], $0x13880, $0x38;
	[tilespmem:$0x17A00] =	vst v63  }
0x86: {  	s18 =	sadd.s32 $0x1, s18;
	_ =	swait.ge [sflag:s14], $0x13880  }
0x87: {  	p0 =	sne.s32 s18, s12;
	[sflag:s14] =	ssyncset.done $0x0  }
.Ltmp10:
0x88: {  	[sflag:s14] =	ssyncadd.s32 $0xFFFEC780;
	(pc) =	sbr.rel @p0 .LBB2_1-.Ltmp10, $4  }
0x89: {  	[hbm4b:s11+s3] =	stream.linear.scatter [tilespmem:s17], [sflag:$0x1], $0x1388, $0x38;
	[tilespmem:$0x17A00] =	vst v63  }
0x8a: {  	_ =	swait.ge [sflag:s14], $0x1388  }
0x8b: {  	[sflag:s14] =	ssyncset.done $0x0  }
0x8c: {  	[sflag:s14] =	ssyncadd.s32 $0xFFFFEC78  }
0x8d: {  	_ =	sfence.sel $0x180000  }
0x8e: {  	[bflag:$0x0] =	sbarrier.arrive $0xFFFF  }
0x8f: {  	p0 =	sne.s32 s0, $0x0;
	_ =	strace $0x9000004A  }
0x90: {  	s0 =	sadd.s32 @!p0 $0x100000, s1;
	[bflag:$0x2] =	sbarrier.arrive $0xFFFF  }
0x91: {  	[sflag:s0] =	ssyncadd.tile.s32 @!p0 $0x1;
	_ =	shalt  }
.Lfunc_end2:
_tile_overlayer_lowered:
.L_overlay_start_2:
0x92: {  	(tag) =	ssettag $0x2  }
0x93: {  	s0 =	rddreg [dreg:$0x0];
	s2 =	stileid.u32  }
0x94: {  	s1 =	rddreg [dreg:$0x1];
	p0 =	sne.s32 s2, $0x0  }
0x95: {  	s3 =	rddreg [dreg:$0x2];
	[bflag:$0x3] =	sbarrier.arrive $0xFFFF;
	s2 =	simm.s32 @!p0 $0x1C01  }
0x96: {  	[timem:s3], [sflag:s2] =	dma.local @!p0 [hbm:s0], s1  }
0x97: {  	s0 =	simm.s32 @!p0 $0x1  }
0x98: {  	_ =	swait.ge @!p0 [sflag:s0], s1  }
0x99: {  	s1 =	ssub.s32 @!p0 $0x0, s1;
	[sflag:s0] =	ssyncset.done @!p0 $0x0  }
0x9a: {  	[sflag:s0] =	ssyncadd.s32 @!p0 s1  }
0x9b: {  	[bflag:$0x3] =	sbarrier.arrive $0xFFFF  }
0x9c: {  	_ =	shalt  }

// kernel: kernel.9.cloned.1.call-start
scs
__scs_entry_jumppad:
0x0: {  	(pc) =	sbr.rel $0x88, $3  }
0x1: {  	(tag) =	ssettag $0x0;
	lr =	simm.s32 $0x1  }
0x2: {  	[smem:$0x3F96] =	sst lr;
	_ =	strace $0xD0000000  }
0x3: {  	_ = 	snop  }
0x4: {  	_ = 	snop  }
0x5: {  	_ = 	snop  }
0x6: {  	_ = 	snop  }
0x7: {  	_ = 	snop  }
__scs_overlays_trampoline_lowered:
0x8: {  	[smem:$0x3FA5] =	sst s0  }
0x9: {  	[smem:$0x3FA6] =	sst s1  }
0xa: {  	[smem:$0x3FA7] =	sst s2  }
0xb: {  	[smem:$0x3FA8] =	sst s3  }
0xc: {  	[smem:$0x3FA9] =	sst s4  }
0xd: {  	[smem:$0x3FAA] =	sst s5  }
0xe: {  	[smem:$0x3FAB] =	sst s6  }
0xf: {  	[smem:$0x3FAC] =	sst s7  }
0x10: {  	[smem:$0x3FAD] =	sst s8  }
0x11: {  	[smem:$0x3FAE] =	sst s9;
	s0 =	simm.s32 @!p0 $0x0  }
0x12: {  	s1 =	sld [smem:$0x3F94];
	s0 =	simm.s32 @p0 $0x1  }
0x13: {  	[smem:$0x3FAF] =	sst s0;
	s0 =	simm.s32 @!p1 $0x0  }
0x14: {  	s2 =	sld [smem:$0x3F93];
	s0 =	simm.s32 @p1 $0x1  }
0x15: {  	[smem:$0x3FB0] =	sst s0;
	s0 =	simm.s32 @!p2 $0x0  }
0x16: {  	s3 =	sld [smem:$0x3FDB];
	s0 =	simm.s32 @p2 $0x1  }
0x17: {  	s4 =	simm.s32 $0x1BF5;
	[smem:$0x3FB2] =	sst s0  }
0x18: {  	s0 =	sld [smem:$0x3F95];
	_ =	swait.ge [sflag:s4], $0x0  }
0x19: {  	s7 =	sld [smem:$0x3F96]  }
0x1a: {  	s8 =	sadd.s32 $0xFFFFE003, lr  }
0x1b: {  	s9 =	sadd.s32 $0xFFFFFEF7, lr;
	s5 =	simm.s32 $0xFFFFFFFF;
	p2 =	slt.u32 s8, $0xFFFFF086  }
0x1c: {  	p1 =	slt.u32 s9, $0xF7A;
	s5 =	simm.s32 @!p2 $0x0  }
0x1d: {  	s5 =	simm.s32 @p1 $0x1;
	p0 =	seq.s32 s7, s2  }
0x1e: {  	s7 =	smul.u32 @!p0 $0xF7A, s2;
	p2 =	seq.s32 @!p0 s5, $0x0  }
0x1f: {  	s9 =	smul.u32 $0xF7A, s1;
	s8 =	simm.s32 @!p0 $0x1BF5;
	p2 =	por !p2, p0  }
0x20: {  	[sflag:s8] =	ssyncset.s32 @!p0 $0xFFFFF086;
	s6 =	sadd.s32 @!p0 s3, s7;
	s7 =	simm.s32 @!p0 $0x108  }
0x21: {  	s3 =	sadd.s32 s3, s9;
	s6 =	sadd.s32 @!p0 $0x88, s6;
	s7 =	simm.s32 @p2 $0x1082  }
0x22: {  	[simem:s7], [sflag:s8] =	dma.local @!p0 [hbm:s6], $0xF7A  }
0x23: {  	s9 =	sor.u32 $0xD0000000, s2;
	s6 =	simm.s32 $0x108;
	_ =	swait.ge @!p0 [sflag:s8], $0x0  }
0x24: {  	s3 =	sadd.s32 $0x88, s3;
	s6 =	simm.s32 @!p1 $0x1082;
	[sflag:s4] =	ssyncset.s32 $0xFFFFF086  }
0x25: {  	[simem:s6], [sflag:s4] =	dma.local [hbm:s3], $0xF7A  }
0x26: {  	[smem:$0x3F96] =	sst s1;
	(tag) =	ssettag s2;
	_ =	strace s9  }
0x27: {  	s1 =	sld [smem:$0x3FA6]  }
0x28: {  	s2 =	sld [smem:$0x3FA7]  }
0x29: {  	s4 =	sld [smem:$0x3FA9]  }
0x2a: {  	p0 =	seq.s32 s5, $0x0;
	s5 =	sld [smem:$0x3FAA]  }
0x2b: {  	s6 =	sld [smem:$0x3FAB]  }
0x2c: {  	s7 =	sld [smem:$0x3FAC]  }
0x2d: {  	s3 =	simm.s32 $0x108;
	s8 =	sld [smem:$0x3FAD]  }
0x2e: {  	s3 =	simm.s32 @!p0 $0x1082;
	s9 =	sld [smem:$0x3FAE]  }
0x2f: {  	lr =	sadd.s32 s0, s3;
	s0 =	sld [smem:$0x3FA5]  }
0x30: {  	s3 =	sld [smem:$0x3FA8]  }
0x31: {  	[smem:$0x3FB1] =	sst s10  }
0x32: {  	s10 =	sld [smem:$0x3FAF];
	_ =	sdelay $0x3  }
0x33: {  	p0 =	seq.s32 s10, $0x1;
	s10 =	sld [smem:$0x3FB1];
	_ =	sdelay $0x3  }
0x34: {  	[smem:$0x3FB1] =	sst s10  }
0x35: {  	s10 =	sld [smem:$0x3FB0];
	_ =	sdelay $0x3  }
0x36: {  	p1 =	seq.s32 s10, $0x1;
	s10 =	sld [smem:$0x3FB1];
	_ =	sdelay $0x3  }
0x37: {  	[smem:$0x3FB1] =	sst s10  }
0x38: {  	s10 =	sld [smem:$0x3FB2]  }
0x39: {  	_ = 	snop;
	(pc) =	sbr.ind lr, $3  }
0x3a: {  	_ = 	snop  }
0x3b: {  	_ = 	snop  }
0x3c: {  	p2 =	seq.s32 s10, $0x1;
	s10 =	sld [smem:$0x3FB1]  }
0x3d: {  	_ =	shalt  }
0x3e: {  	_ =	shalt  }
0x3f: {  	_ =	shalt  }
0x40: {  	_ =	shalt  }
0x41: {  	_ =	shalt  }
0x42: {  	_ =	shalt  }
0x43: {  	_ =	shalt  }
0x44: {  	_ =	shalt  }
0x45: {  	_ =	shalt  }
0x46: {  	_ =	shalt  }
0x47: {  	_ =	shalt  }
0x48: {  	_ =	shalt  }
0x49: {  	_ =	shalt  }
0x4a: {  	_ =	shalt  }
0x4b: {  	_ =	shalt  }
0x4c: {  	_ =	shalt  }
0x4d: {  	_ =	shalt  }
0x4e: {  	_ =	shalt  }
0x4f: {  	_ =	shalt  }
0x50: {  	_ =	shalt  }
0x51: {  	_ =	shalt  }
0x52: {  	_ =	shalt  }
0x53: {  	_ =	shalt  }
0x54: {  	_ =	shalt  }
0x55: {  	_ =	shalt  }
0x56: {  	_ =	shalt  }
0x57: {  	_ =	shalt  }
0x58: {  	_ =	shalt  }
0x59: {  	_ =	shalt  }
0x5a: {  	_ =	shalt  }
0x5b: {  	_ =	shalt  }
0x5c: {  	_ =	shalt  }
0x5d: {  	_ =	shalt  }
0x5e: {  	_ =	shalt  }
0x5f: {  	_ =	shalt  }
0x60: {  	_ =	shalt  }
0x61: {  	_ =	shalt  }
0x62: {  	_ =	shalt  }
0x63: {  	_ =	shalt  }
0x64: {  	_ =	shalt  }
0x65: {  	_ =	shalt  }
0x66: {  	_ =	shalt  }
0x67: {  	_ =	shalt  }
0x68: {  	_ =	shalt  }
0x69: {  	_ =	shalt  }
0x6a: {  	_ =	shalt  }
0x6b: {  	_ =	shalt  }
0x6c: {  	_ =	shalt  }
0x6d: {  	_ =	shalt  }
0x6e: {  	_ =	shalt  }
0x6f: {  	_ =	shalt  }
0x70: {  	_ =	shalt  }
0x71: {  	_ =	shalt  }
0x72: {  	_ =	shalt  }
0x73: {  	_ =	shalt  }
0x74: {  	_ =	shalt  }
0x75: {  	_ =	shalt  }
0x76: {  	_ =	shalt  }
0x77: {  	_ =	shalt  }
0x78: {  	_ =	shalt  }
0x79: {  	_ =	shalt  }
0x7a: {  	_ =	shalt  }
0x7b: {  	_ =	shalt  }
0x7c: {  	_ =	shalt  }
0x7d: {  	_ =	shalt  }
0x7e: {  	_ =	shalt  }
0x7f: {  	_ =	shalt  }
0x80: {  	_ =	shalt  }
0x81: {  	_ =	shalt  }
0x82: {  	_ =	shalt  }
0x83: {  	_ =	shalt  }
0x84: {  	_ =	shalt  }
0x85: {  	_ =	shalt  }
0x86: {  	_ =	shalt  }
0x87: {  	_ =	shalt  }
.Lfunc_end0:
.L_simem_size_0:
called_computation_lowered:
.L_overlay_start_0:
0x88: {  	s2 =	sld [smem:$0x3FD9]  }
0x89: {  	s3 =	sld [smem:$0x3FFE];
	_ =	sdelay $0x1  }
0x8a: {  	s1 =	srdreg.scid  }
0x8b: {  	s0 =	sand.u32 $0x1, s1  }
0x8c: {  	s14 =	sshll.u32 s0, $0xA;
	s2 =	sadd.s32 s3, s2  }
0x8d: {  	s2 =	sadd.s32 s2, s14  }
0x8e: {  	[smem:$0x3FBD] =	sst s2  }
0x8f: {  	_ = 	snop  }
0x90: {  	s2 =	sld [smem:$0x3FD0];
	_ =	sdelay $0x2  }
0x91: {  	s15 =	simm.s32 $0xA;
	s4 =	simm.s32 $0x10  }
0x92: {  	[smem:s4], [sflag:s15] =	dma.local [hbm:s2], $0x1  }
0x93: {  	_ =	swait.eq [sflag:s15], $0x1  }
0x94: {  	[sflag:s15] =	ssyncset.done $0x0  }
0x95: {  	s16 =	sld [smem:$0x10];
	[sflag:s15] =	ssyncadd.s32 $0xFFFFFFFF  }
0x96: {  	s17 =	sld [smem:$0x11];
	(tm) =	ssettm $0x1  }
0x97: {  	s18 =	sld [smem:$0x3FFB];
	_ =	sdelay $0x3  }
0x98: {  	_ =	strace s18  }
0x99: {  	s4 =	sld [smem:$0x3FFC];
	_ =	sdelay $0x3  }
0x9a: {  	_ =	strace s4  }
0x9b: {  	s4 =	sld [smem:$0x3FFD];
	_ =	sdelay $0x3  }
0x9c: {  	_ =	strace s4  }
0x9d: {  	_ =	strace $0x8FFFFFFF  }
0x9e: {  	s19 =	sld [smem:$0x3FDB];
	_ =	sdelay $0x1  }
0x9f: {  	s5 =	simm.s32 $_scs_section_size  }
0xa0: {  	s6 =	simm.s32 $_size__tile_overlayer_lowered;
	s7 =	simm.s32 $_tile_overlayer_lowered  }
0xa1: {  	s22 =	simm.s32 $0x1BFF;
	s21 =	sshll.u32 s7, $0x1;
	s4 =	sadd.s32 s5, s19  }
0xa2: {  	s8 =	simm.s32 $0x0;
	s20 =	sshll.u32 s6, $0x1;
	s6 =	sadd.s32 s21, s4  }
0xa3: {  	[timem:s8], [sflag:s22] =	dma.local [hbm:s6], s20  }
0xa4: {  	_ =	swait.ge [sflag:s22], s20  }
0xa5: {  	s5 =	ssub.s32 $0x0, s20;
	[sflag:s22] =	ssyncset.done $0x0  }
0xa6: {  	[sflag:s22] =	ssyncadd.s32 s5;
	_ =	sdelay $0x1  }
0xa7: {  	s23 =	simm.s32 $0x1B8B  }
0xa8: {  	_ =	swait.ge [sflag:s23], $0x1  }
0xa9: {  	[sflag:s23] =	ssyncset.done $0x0  }
0xaa: {  	s25 =	simm.s32 $0x1B8E;
	s24 =	sld [smem:$0x3FFE];
	[sflag:s23] =	ssyncadd.s32 $0xFFFFFFFF  }
0xab: {  	s26 =	simm.s32 $execute0_lowered;
	[smem:$0x3FD2] =	sst s25  }
0xac: {  	s6 =	sshll.u32 s26, $0x1;
	_ =	strace $0x80000046;
	[dreg:$0x1] =	wrdreg $0xFFFFFFFF  }
0xad: {  	s28 =	simm.s32 $_size_execute0_lowered;
	s4 =	sadd.s32 s4, s6;
	[dreg:$0x0] =	wrdreg $0x0  }
0xae: {  	s6 =	sshll.u32 s28, $0x1;
	[dreg:$0x2] =	wrdreg s4  }
0xaf: {  	[dreg:$0x3] =	wrdreg s6  }
0xb0: {  	[dreg:$0x4] =	wrdreg $0xC0  }
0xb1: {  	_ =	task [dreg:s8], $0x5FFFF  }
0xb2: {  	[dreg:$0x1] =	wrdreg $0xFFFFFFFF  }
0xb3: {  	[dreg:$0x0] =	wrdreg $0x60  }
0xb4: {  	[dreg:$0x2] =	wrdreg s17  }
0xb5: {  	[dreg:$0x3] =	wrdreg s16  }
0xb6: {  	[dreg:$0x4] =	wrdreg s24  }
0xb7: {  	[dreg:$0x5] =	wrdreg $0x9  }
0xb8: {  	_ =	task.clear_ibuf [dreg:s8], $0x6FFFF;
	_ =	strace $0x90000046  }
0xb9: {  	s29 =	simm.s32 $0x9;
	_ =	strace $0x80000048  }
0xba: {  	_ =	swait.ge [sflag:s29], $0x1  }
0xbb: {  	[sflag:s29] =	ssyncadd.s32 $0xFFFFFFFF  }
0xbc: {  	_ =	strace $0x90000048  }
0xbd: {  	_ =	sfence  }
0xbe: {  	s30 =	sld [smem:$0x0];
	_ =	sdelay $0x2  }
0xbf: {  	s31 =	sshll.u32 s1, $0xD;
	s1 =	sshrl.u32 s1, $0x2  }
0xc0: {  	s3 =	sand.u32 $0x4000, s31;
	s1 =	sadd.s32 s1, s30  }
0xc1: {  	s0 =	sor.u32 s3, s0;
	s1 =	sshll.u32 s1, $0x11  }
0xc2: {  	s0 =	sor.u32 s1, s0  }
0xc3: {  	s0 =	sadd.s32 $0x8F2B, s0  }
0xc4: {  	[sflag:s0] =	ssyncadd.remote.s32 $0x1  }
0xc5: {  	_ =	sfence.sel $0xFFFF  }
0xc6: {  	[dreg:$0x0] =	wrdreg $0xFFFFFFFF;
	(pc) =	sbr.abs _section_cstart, $3  }
0xc7: {  	[dreg:$0x1] =	wrdreg $0xFFFFFFFF  }
0xc8: {  	_ =	task.clear_ibuf [dreg:s8], $0x2FFFF;
	_ =	strace $0x9FFFFFFF  }
0xc9: {  	(tm) =	ssettm $0x7FFFFFFF  }
tec
execute0_lowered:
.L_overlay_start_1:
0x0: {  	(tag) =	ssettag $0x1  }
0x1: {  	s1 =	rddreg [dreg:$0x0];
	s0 =	srdreg.scid  }
0x2: {  	s2 =	stileid.u32;
	s3 =	rddreg [dreg:$0x1]  }
0x3: {  	s6 =	rddreg [dreg:$0x2];
	s4 =	simm.s32 $0x0;
	s11 =	simm.s32 $0x2  }
0x4: {  	s13 =	simm.s32 $0x2800;
	s21 =	simm.s32 $0x6800;
	s22 =	simm.s32 $0x7000  }
0x5: {  	s23 =	simm.s32 $0x7800;
	s24 =	simm.s32 $0x8000;
	s25 =	simm.s32 $0x8800  }
0x6: {  	s28 =	simm.s32 $0x9800;
	s29 =	simm.s32 $0xA000;
	s30 =	simm.s32 $0xA800  }
0x7: {  	s31 =	simm.s32 $0xB000;
	s0 =	sand.u32 $0x1, s0;
	s2 =	sshll.u32 s2, $0x1  }
0x8: {  	s12 =	simm.s32 $0xC800;
	s9 =	simm.s32 $0xE000;
	s2 =	sor.u32 s0, s2  }
0x9: {  	s10 =	simm.s32 $0x1;
	s0 =	ssub.s32 $0x2, s0;
	s5 =	smul.u32 $0x1388, s2  }
0xa: {  	[smem:$0x7FF] =	sst s4;
	s2 =	smul.u32 $0x138800, s2;
	s8 =	sshrl.u32 s0, $0x1  }
0xb: {  	s15 =	simm.s32 $0x0;
	_ =	strace $0x80000047;
	s0 =	ssub.s32 s0, s8  }
0xc: {  	s8 =	simm.s32 $0xD800;
	s7 =	sshrl.u32 s5, $0x3;
	s2 =	sshrl.u32 s2, $0x3  }
0xd: {  	s0 =	smax.u32 s0, $0x1;
	s7 =	sadd.s32 s7, s6;
	s6 =	sadd.s32 $0xDC00, s6  }
0xe: {  	[dreg:$0x7] =	wrdreg s0;
	s0 =	simm.s32 $0xC000;
	s26 =	sadd.s32 $0x8C00, s7  }
0xf: {  	v2 =	vlaneseq.u32;
	s7 =	sadd.s32 $0x3C00, s7;
	s2 =	sadd.s32 s6, s2;
	[dreg:$0x4] =	wrdreg s26  }
0x10: {  	vm0 =	vmmov $0xffff;
	v1 =	vshrl.u32 v2, $0x3;
	[dreg:$0x5] =	wrdreg s7;
	s2 =	sadd.s32 $0x27000, s2;
	s26 =	simm.s32 $0x9000  }
0x11: {  	v0 =	vand.u32 $0x7, v2;
	v2 =	vor.u32 $0x8, v2;
	v1 =	vmul.u32 $0x8, v1;
	s7 =	simm.s32 $0xD000;
	[dreg:$0x6] =	wrdreg s2;
	s2 =	simm.s32 $0xB800  }
.LBB2_1:
0x12: {  	[dreg:$0x8] =	wrdreg s15  }
0x13: {  	s14 =	rddreg [dreg:$0x4]  }
0x14: {  	[tilespmem:s4], [sflag:$0x2] =	stream.linear.gather [hbm4b:s14+s4], $0x1388, $0x38;
	[tilespmem:$0xE800] =	vst v63  }
0x15: {  	_ =	swait.ge [sflag:s11], $0x1388  }
0x16: {  	[sflag:s11] =	ssyncset.done $0x0  }
0x17: {  	s20 =	simm.s32 $0x1400;
	s19 =	rddreg [dreg:$0x5];
	[sflag:s11] =	ssyncadd.s32 $0xFFFFEC78  }
0x18: {  	[tilespmem:s20], [sflag:$0x2] =	stream.linear.gather [hbm4b:s19+s4], $0x1388, $0x38;
	[tilespmem:$0xE800] =	vst v63  }
0x19: {  	_ =	swait.ge [sflag:s11], $0x1388  }
0x1a: {  	[sflag:s11] =	ssyncset.done $0x0  }
0x1b: {  	s14 =	simm.s32 $0x0;
	[sflag:s11] =	ssyncadd.s32 $0xFFFFEC78  }
.LBB2_2:
0x1c: {  	s15 =	smul.u32 $0x60, s14;
	_ =	sdelay $0x1  }
0x1d: {  	v3 =	vld [tilespmem:s15+$0x0];
	_ =	sdelay $0x4  }
0x1e: {  	v4 =	vshll.u32 v3, $0x1  }
0x1f: {  	v3 =	vand.u32 $0x7, v3;
	v4 =	vand.u32 $0xFFFFFFF0, v4  }
0x20: {  	v3 =	vor.u32 v3, v4  }
0x21: {  	v4 =	vperm.xlane v3, v0;
	_ =	sdelay $0x1  }
0x22: {  	v3 =	vperm.xlane v3, v2;
	v4 =	vadd.s32 v1, v4;
	_ =	sdelay $0x1  }
0x23: {  	v3 =	vadd.s32 v1, v3;
	_ =	sdelay $0x1  }
0x24: {  	s16 =	simm.s32 $0x0  }
0x25: {  	[tilespmem:s13], [sflag:$0x1] =	stream.indirect_vreg.gather [hbm4b:s1+s16], $0x80, v4, vm0, $0xb8;
	[tilespmem:$0xE800] =	vst v63  }
0x26: {  	s17 =	simm.s32 $0x3000  }
0x27: {  	[tilespmem:s17], [sflag:$0x1] =	stream.indirect_vreg.gather [hbm4b:s1+s16], $0x80, v3, vm0, $0xb8;
	[tilespmem:$0xE800] =	vst v63  }
0x28: {  	v3 =	vld [tilespmem:s15+$0x10];
	_ =	sdelay $0x4  }
0x29: {  	v4 =	vshll.u32 v3, $0x1  }
0x2a: {  	v3 =	vand.u32 $0x7, v3;
	v4 =	vand.u32 $0xFFFFFFF0, v4  }
0x2b: {  	v3 =	vor.u32 v3, v4  }
0x2c: {  	v4 =	vperm.xlane v3, v0;
	_ =	sdelay $0x1  }
0x2d: {  	v3 =	vperm.xlane v3, v2;
	v4 =	vadd.s32 v1, v4;
	_ =	sdelay $0x1  }
0x2e: {  	v3 =	vadd.s32 v1, v3;
	_ =	sdelay $0x1  }
0x2f: {  	s20 =	simm.s32 $0x3800  }
0x30: {  	[tilespmem:s20], [sflag:$0x1] =	stream.indirect_vreg.gather [hbm4b:s1+s16], $0x80, v4, vm0, $0xb8;
	[tilespmem:$0xE800] =	vst v63  }
0x31: {  	s18 =	simm.s32 $0x4000  }
0x32: {  	[tilespmem:s18], [sflag:$0x1] =	stream.indirect_vreg.gather [hbm4b:s1+s16], $0x80, v3, vm0, $0xb8;
	[tilespmem:$0xE800] =	vst v63  }
0x33: {  	v3 =	vld [tilespmem:s15+$0x20];
	_ =	sdelay $0x4  }
0x34: {  	v4 =	vshll.u32 v3, $0x1  }
0x35: {  	v3 =	vand.u32 $0x7, v3;
	v4 =	vand.u32 $0xFFFFFFF0, v4  }
0x36: {  	v3 =	vor.u32 v3, v4  }
0x37: {  	v4 =	vperm.xlane v3, v0;
	_ =	sdelay $0x1  }
0x38: {  	v3 =	vperm.xlane v3, v2;
	v4 =	vadd.s32 v1, v4;
	_ =	sdelay $0x1  }
0x39: {  	v3 =	vadd.s32 v1, v3;
	_ =	sdelay $0x1  }
0x3a: {  	s19 =	simm.s32 $0x4800  }
0x3b: {  	[tilespmem:s19], [sflag:$0x1] =	stream.indirect_vreg.gather [hbm4b:s1+s16], $0x80, v4, vm0, $0xb8;
	[tilespmem:$0xE800] =	vst v63  }
0x3c: {  	s20 =	simm.s32 $0x5000  }
0x3d: {  	[tilespmem:s20], [sflag:$0x1] =	stream.indirect_vreg.gather [hbm4b:s1+s16], $0x80, v3, vm0, $0xb8;
	[tilespmem:$0xE800] =	vst v63  }
0x3e: {  	v3 =	vld [tilespmem:s15+$0x30];
	_ =	sdelay $0x4  }
0x3f: {  	v4 =	vshll.u32 v3, $0x1  }
0x40: {  	v3 =	vand.u32 $0x7, v3;
	v4 =	vand.u32 $0xFFFFFFF0, v4  }
0x41: {  	v3 =	vor.u32 v3, v4  }
0x42: {  	v4 =	vperm.xlane v3, v0;
	_ =	sdelay $0x1  }
0x43: {  	v3 =	vperm.xlane v3, v2;
	v4 =	vadd.s32 v1, v4;
	_ =	sdelay $0x1  }
0x44: {  	v3 =	vadd.s32 v1, v3;
	_ =	sdelay $0x1  }
0x45: {  	s18 =	simm.s32 $0x5800  }
0x46: {  	[tilespmem:s18], [sflag:$0x1] =	stream.indirect_vreg.gather [hbm4b:s1+s16], $0x80, v4, vm0, $0xb8;
	[tilespmem:$0xE800] =	vst v63  }
0x47: {  	s19 =	simm.s32 $0x6000  }
0x48: {  	[tilespmem:s19], [sflag:$0x1] =	stream.indirect_vreg.gather [hbm4b:s1+s16], $0x80, v3, vm0, $0xb8;
	[tilespmem:$0xE800] =	vst v63  }
0x49: {  	v3 =	vld [tilespmem:s15+$0x40];
	_ =	sdelay $0x4  }
0x4a: {  	v4 =	vshll.u32 v3, $0x1  }
0x4b: {  	v3 =	vand.u32 $0x7, v3;
	v4 =	vand.u32 $0xFFFFFFF0, v4  }
0x4c: {  	v3 =	vor.u32 v3, v4  }
0x4d: {  	v4 =	vperm.xlane v3, v0;
	_ =	sdelay $0x1  }
0x4e: {  	v3 =	vperm.xlane v3, v2;
	v4 =	vadd.s32 v1, v4;
	_ =	sdelay $0x1  }
0x4f: {  	v3 =	vadd.s32 v1, v3;
	_ =	sdelay $0x2  }
0x50: {  	[tilespmem:s21], [sflag:$0x1] =	stream.indirect_vreg.gather [hbm4b:s1+s16], $0x80, v4, vm0, $0xb8;
	[tilespmem:$0xE800] =	vst v63  }
0x51: {  	_ = 	snop  }
0x52: {  	[tilespmem:s22], [sflag:$0x1] =	stream.indirect_vreg.gather [hbm4b:s1+s16], $0x80, v3, vm0, $0xb8;
	[tilespmem:$0xE800] =	vst v63  }
0x53: {  	v3 =	vld [tilespmem:s15+$0x50];
	_ =	sdelay $0x4  }
0x54: {  	v4 =	vshll.u32 v3, $0x1  }
0x55: {  	v3 =	vand.u32 $0x7, v3;
	v4 =	vand.u32 $0xFFFFFFF0, v4  }
0x56: {  	v3 =	vor.u32 v3, v4  }
0x57: {  	v4 =	vperm.xlane v3, v0;
	_ =	sdelay $0x1  }
0x58: {  	v3 =	vperm.xlane v3, v2;
	v4 =	vadd.s32 v1, v4;
	_ =	sdelay $0x1  }
0x59: {  	v3 =	vadd.s32 v1, v3;
	_ =	sdelay $0x2  }
0x5a: {  	[tilespmem:s23], [sflag:$0x1] =	stream.indirect_vreg.gather [hbm4b:s1+s16], $0x80, v4, vm0, $0xb8;
	[tilespmem:$0xE800] =	vst v63  }
0x5b: {  	_ = 	snop  }
0x5c: {  	[tilespmem:s24], [sflag:$0x1] =	stream.indirect_vreg.gather [hbm4b:s1+s16], $0x80, v3, vm0, $0xb8;
	[tilespmem:$0xE800] =	vst v63  }
0x5d: {  	v3 =	vld [tilespmem:s15+$0x1400];
	_ =	sdelay $0x4  }
0x5e: {  	v4 =	vshll.u32 v3, $0x1  }
0x5f: {  	v3 =	vand.u32 $0x7, v3;
	v4 =	vand.u32 $0xFFFFFFF0, v4  }
0x60: {  	v3 =	vor.u32 v3, v4  }
0x61: {  	v4 =	vperm.xlane v3, v0;
	_ =	sdelay $0x1  }
0x62: {  	v3 =	vperm.xlane v3, v2;
	v4 =	vadd.s32 v1, v4;
	_ =	sdelay $0x1  }
0x63: {  	v3 =	vadd.s32 v1, v3;
	_ =	sdelay $0x2  }
0x64: {  	[tilespmem:s25], [sflag:$0x1] =	stream.indirect_vreg.gather [hbm4b:s3+s16], $0x80, v4, vm0, $0xb8;
	[tilespmem:$0xE800] =	vst v63  }
0x65: {  	_ = 	snop  }
0x66: {  	[tilespmem:s26], [sflag:$0x1] =	stream.indirect_vreg.gather [hbm4b:s3+s16], $0x80, v3, vm0, $0xb8;
	[tilespmem:$0xE800] =	vst v63  }
0x67: {  	v3 =	vld [tilespmem:s15+$0x1410];
	_ =	sdelay $0x4  }
0x68: {  	v4 =	vshll.u32 v3, $0x1  }
0x69: {  	v3 =	vand.u32 $0x7, v3;
	v4 =	vand.u32 $0xFFFFFFF0, v4  }
0x6a: {  	v3 =	vor.u32 v3, v4  }
0x6b: {  	v4 =	vperm.xlane v3, v0;
	_ =	sdelay $0x1  }
0x6c: {  	v3 =	vperm.xlane v3, v2;
	v4 =	vadd.s32 v1, v4;
	_ =	sdelay $0x1  }
0x6d: {  	v3 =	vadd.s32 v1, v3;
	_ =	sdelay $0x2  }
0x6e: {  	[tilespmem:s28], [sflag:$0x1] =	stream.indirect_vreg.gather [hbm4b:s3+s16], $0x80, v4, vm0, $0xb8;
	[tilespmem:$0xE800] =	vst v63  }
0x6f: {  	_ = 	snop  }
0x70: {  	[tilespmem:s29], [sflag:$0x1] =	stream.indirect_vreg.gather [hbm4b:s3+s16], $0x80, v3, vm0, $0xb8;
	[tilespmem:$0xE800] =	vst v63  }
0x71: {  	v3 =	vld [tilespmem:s15+$0x1420];
	_ =	sdelay $0x4  }
0x72: {  	v4 =	vshll.u32 v3, $0x1  }
0x73: {  	v3 =	vand.u32 $0x7, v3;
	v4 =	vand.u32 $0xFFFFFFF0, v4  }
0x74: {  	v3 =	vor.u32 v3, v4  }
0x75: {  	v4 =	vperm.xlane v3, v0;
	_ =	sdelay $0x1  }
0x76: {  	v3 =	vperm.xlane v3, v2;
	v4 =	vadd.s32 v1, v4;
	_ =	sdelay $0x1  }
0x77: {  	v3 =	vadd.s32 v1, v3;
	_ =	sdelay $0x2  }
0x78: {  	[tilespmem:s30], [sflag:$0x1] =	stream.indirect_vreg.gather [hbm4b:s3+s16], $0x80, v4, vm0, $0xb8;
	[tilespmem:$0xE800] =	vst v63  }
0x79: {  	_ = 	snop  }
0x7a: {  	[tilespmem:s31], [sflag:$0x1] =	stream.indirect_vreg.gather [hbm4b:s3+s16], $0x80, v3, vm0, $0xb8;
	[tilespmem:$0xE800] =	vst v63  }
0x7b: {  	v3 =	vld [tilespmem:s15+$0x1430];
	_ =	sdelay $0x4  }
0x7c: {  	v4 =	vshll.u32 v3, $0x1  }
0x7d: {  	v3 =	vand.u32 $0x7, v3;
	v4 =	vand.u32 $0xFFFFFFF0, v4  }
0x7e: {  	v3 =	vor.u32 v3, v4  }
0x7f: {  	v4 =	vperm.xlane v3, v0;
	_ =	sdelay $0x1  }
0x80: {  	v3 =	vperm.xlane v3, v2;
	v4 =	vadd.s32 v1, v4;
	_ =	sdelay $0x1  }
0x81: {  	v3 =	vadd.s32 v1, v3;
	_ =	sdelay $0x2  }
0x82: {  	[tilespmem:s2], [sflag:$0x1] =	stream.indirect_vreg.gather [hbm4b:s3+s16], $0x80, v4, vm0, $0xb8;
	[tilespmem:$0xE800] =	vst v63  }
0x83: {  	_ = 	snop  }
0x84: {  	[tilespmem:s0], [sflag:$0x1] =	stream.indirect_vreg.gather [hbm4b:s3+s16], $0x80, v3, vm0, $0xb8;
	[tilespmem:$0xE800] =	vst v63  }
0x85: {  	v3 =	vld [tilespmem:s15+$0x1440];
	_ =	sdelay $0x4  }
0x86: {  	v4 =	vshll.u32 v3, $0x1  }
0x87: {  	v3 =	vand.u32 $0x7, v3;
	v4 =	vand.u32 $0xFFFFFFF0, v4  }
0x88: {  	v3 =	vor.u32 v3, v4  }
0x89: {  	v4 =	vperm.xlane v3, v0;
	_ =	sdelay $0x1  }
0x8a: {  	v3 =	vperm.xlane v3, v2;
	v4 =	vadd.s32 v1, v4;
	_ =	sdelay $0x1  }
0x8b: {  	v3 =	vadd.s32 v1, v3;
	_ =	sdelay $0x2  }
0x8c: {  	[tilespmem:s12], [sflag:$0x1] =	stream.indirect_vreg.gather [hbm4b:s3+s16], $0x80, v4, vm0, $0xb8;
	[tilespmem:$0xE800] =	vst v63  }
0x8d: {  	_ = 	snop  }
0x8e: {  	[tilespmem:s7], [sflag:$0x1] =	stream.indirect_vreg.gather [hbm4b:s3+s16], $0x80, v3, vm0, $0xb8;
	[tilespmem:$0xE800] =	vst v63  }
0x8f: {  	v3 =	vld [tilespmem:s15+$0x1450];
	_ =	sdelay $0x4  }
0x90: {  	v4 =	vshll.u32 v3, $0x1  }
0x91: {  	v3 =	vand.u32 $0x7, v3;
	v4 =	vand.u32 $0xFFFFFFF0, v4  }
0x92: {  	v3 =	vor.u32 v3, v4  }
0x93: {  	v4 =	vperm.xlane v3, v0;
	_ =	sdelay $0x1  }
0x94: {  	v3 =	vperm.xlane v3, v2;
	v4 =	vadd.s32 v1, v4;
	_ =	sdelay $0x1  }
0x95: {  	v3 =	vadd.s32 v1, v3;
	_ =	sdelay $0x2  }
0x96: {  	[tilespmem:s8], [sflag:$0x1] =	stream.indirect_vreg.gather [hbm4b:s3+s16], $0x80, v4, vm0, $0xb8;
	[tilespmem:$0xE800] =	vst v63  }
0x97: {  	_ = 	snop  }
0x98: {  	[tilespmem:s9], [sflag:$0x1] =	stream.indirect_vreg.gather [hbm4b:s3+s16], $0x80, v3, vm0, $0xb8;
	[tilespmem:$0xE800] =	vst v63  }
0x99: {  	_ =	swait.ge [sflag:s10], $0x6000  }
0x9a: {  	[sflag:s10] =	ssyncset.done $0x0  }
0x9b: {  	[sflag:s10] =	ssyncadd.s32 $0xFFFFA000  }
0x9c: {  	_ =	swait.ge [sflag:s10], $0x6000  }
0x9d: {  	s20 =	sand.u32 $0x7800, s16;
	s16 =	sand.u32 $0x380, s16;
	[sflag:s10] =	ssyncset.done $0x0  }
0x9e: {  	s16 =	sor.u32 s16, s20;
	[sflag:s10] =	ssyncadd.s32 $0xFFFFA000  }
0x9f: {  	v10 =	vld [tilespmem:s16+$0x8800]  }
0xa0: {  	v11 =	vld [tilespmem:s16+$0x8810]  }
0xa1: {  	v12 =	vld [tilespmem:s16+$0x8820]  }
0xa2: {  	v13 =	vld [tilespmem:s16+$0x8830]  }
0xa3: {  	v14 =	vld [tilespmem:s16+$0x8840]  }
0xa4: {  	v15 =	vld [tilespmem:s16+$0x8850]  }
0xa5: {  	v16 =	vld [tilespmem:s16+$0x8860]  }
0xa6: {  	v17 =	vld [tilespmem:s16+$0x8870]  }
0xa7: {  	v18 =	vld [tilespmem:s16+$0x8C00]  }
0xa8: {  	v9 =	vld [tilespmem:s16+$0x8C10]  }
0xa9: {  	v8 =	vld [tilespmem:s16+$0x8C20]  }
0xaa: {  	v7 =	vld [tilespmem:s16+$0x8C30]  }
0xab: {  	v6 =	vld [tilespmem:s16+$0x8C40]  }
0xac: {  	v5 =	vld [tilespmem:s16+$0x8C50]  }
0xad: {  	v4 =	vld [tilespmem:s16+$0x8C60]  }
0xae: {  	v3 =	vld [tilespmem:s16+$0x8C70]  }
0xaf: {  	v19 =	vld [tilespmem:s16+$0x2800]  }
0xb0: {  	v20 =	vld [tilespmem:s16+$0x2810]  }
0xb1: {  	v21 =	vld [tilespmem:s16+$0x2820]  }
0xb2: {  	v22 =	vld [tilespmem:s16+$0x2830]  }
0xb3: {  	v23 =	vld [tilespmem:s16+$0x2840]  }
0xb4: {  	v10 =	vadd.bf16 v10, v19;
	v19 =	vld [tilespmem:s16+$0x2850]  }
0xb5: {  	v61 =	vld [tilespmem:s16+$0x2860];
	v11 =	vadd.bf16 v11, v20  }
0xb6: {  	v62 =	vld [tilespmem:s16+$0x2870];
	[tilespmem:s16+$0x2800] =	vst v10;
	v10 =	vadd.bf16 v12, v21  }
0xb7: {  	v63 =	vld [tilespmem:s16+$0x2C00];
	[tilespmem:s16+$0x2810] =	vst v11;
	v11 =	vadd.bf16 v13, v22  }
0xb8: {  	v13 =	vld [tilespmem:s16+$0x2C10];
	[tilespmem:s16+$0x2820] =	vst v10;
	v10 =	vadd.bf16 v14, v23  }
0xb9: {  	v12 =	vld [tilespmem:s16+$0x2C20];
	[tilespmem:s16+$0x2830] =	vst v11;
	v11 =	vadd.bf16 v15, v19  }
0xba: {  	v14 =	vadd.bf16 v16, v61;
	[tilespmem:s16+$0x2840] =	vst v10;
	v10 =	vld [tilespmem:s16+$0x2C30]  }
0xbb: {  	v16 =	vadd.bf16 v17, v62;
	[tilespmem:s16+$0x2850] =	vst v11;
	v11 =	vld [tilespmem:s16+$0x2C40]  }
0xbc: {  	s17 =	simm.s32 $0x80;
	s18 =	simm.s32 $0x100;
	v15 =	vadd.bf16 v18, v63;
	[tilespmem:s16+$0x2860] =	vst v14;
	v14 =	vld [tilespmem:s16+$0x2C50]  }
.LBB2_3:
0xbd: {  	s19 =	sand.u32 $0x7800, s18;
	s20 =	sand.u32 $0x380, s17;
	p0 =	sne.s32 s18, $0x5F00;
	[tilespmem:s16+$0x2870] =	vst v16;
	v9 =	vadd.bf16 v9, v13;
	v13 =	vld [tilespmem:s16+$0x2C60]  }
0xbe: {  	s19 =	sor.u32 s20, s19;
	[tilespmem:s16+$0x2C00] =	vst v15;
	v8 =	vadd.bf16 v8, v12;
	v12 =	vld [tilespmem:s16+$0x2C70]  }
0xbf: {  	v15 =	vld [tilespmem:s19+$0x8800];
	[tilespmem:s16+$0x2C10] =	vst v9;
	v7 =	vadd.bf16 v7, v10  }
0xc0: {  	v10 =	vld [tilespmem:s19+$0x8810];
	[tilespmem:s16+$0x2C20] =	vst v8;
	v6 =	vadd.bf16 v6, v11  }
0xc1: {  	v11 =	vld [tilespmem:s19+$0x8820];
	[tilespmem:s16+$0x2C30] =	vst v7;
	v5 =	vadd.bf16 v5, v14  }
0xc2: {  	v14 =	vld [tilespmem:s19+$0x8830];
	[tilespmem:s16+$0x2C40] =	vst v6;
	v4 =	vadd.bf16 v4, v13  }
0xc3: {  	v13 =	vld [tilespmem:s19+$0x8840];
	[tilespmem:s16+$0x2C50] =	vst v5;
	v3 =	vadd.bf16 v3, v12  }
0xc4: {  	v12 =	vld [tilespmem:s19+$0x8850];
	[tilespmem:s16+$0x2C60] =	vst v4  }
0xc5: {  	v16 =	vld [tilespmem:s19+$0x8860];
	[tilespmem:s16+$0x2C70] =	vst v3;
	s16 =	smov.u32 s19  }
0xc6: {  	v17 =	vld [tilespmem:s16+$0x8870]  }
0xc7: {  	v18 =	vld [tilespmem:s16+$0x8C00]  }
0xc8: {  	v9 =	vld [tilespmem:s16+$0x8C10]  }
0xc9: {  	v8 =	vld [tilespmem:s16+$0x8C20]  }
0xca: {  	v7 =	vld [tilespmem:s16+$0x8C30]  }
0xcb: {  	v6 =	vld [tilespmem:s16+$0x8C40]  }
0xcc: {  	v5 =	vld [tilespmem:s16+$0x8C50]  }
0xcd: {  	v4 =	vld [tilespmem:s16+$0x8C60]  }
0xce: {  	v3 =	vld [tilespmem:s16+$0x8C70]  }
0xcf: {  	v19 =	vld [tilespmem:s16+$0x2800]  }
0xd0: {  	v20 =	vld [tilespmem:s16+$0x2810]  }
0xd1: {  	v21 =	vld [tilespmem:s16+$0x2820]  }
0xd2: {  	v22 =	vld [tilespmem:s16+$0x2830]  }
0xd3: {  	v23 =	vld [tilespmem:s16+$0x2840]  }
0xd4: {  	v15 =	vadd.bf16 v15, v19;
	v19 =	vld [tilespmem:s16+$0x2850]  }
0xd5: {  	v10 =	vadd.bf16 v10, v20;
	v20 =	vld [tilespmem:s16+$0x2860]  }
0xd6: {  	[tilespmem:s16+$0x2800] =	vst v15;
	v11 =	vadd.bf16 v11, v21;
	v15 =	vld [tilespmem:s16+$0x2870]  }
0xd7: {  	[tilespmem:s16+$0x2810] =	vst v10;
	v10 =	vadd.bf16 v14, v22;
	v14 =	vld [tilespmem:s16+$0x2C00]  }
.Ltmp0:
0xd8: {  	[tilespmem:s16+$0x2820] =	vst v11;
	v11 =	vadd.bf16 v13, v23;
	v13 =	vld [tilespmem:s16+$0x2C10];
	(pc) =	sbr.rel @p0 .LBB2_3-.Ltmp0, $4  }
0xd9: {  	[tilespmem:s16+$0x2830] =	vst v10;
	v19 =	vadd.bf16 v12, v19;
	v12 =	vld [tilespmem:s16+$0x2C20]  }
0xda: {  	[tilespmem:s16+$0x2840] =	vst v11;
	v20 =	vadd.bf16 v16, v20;
	v10 =	vld [tilespmem:s16+$0x2C30]  }
0xdb: {  	[tilespmem:s16+$0x2850] =	vst v19;
	v16 =	vadd.bf16 v17, v15;
	v11 =	vld [tilespmem:s16+$0x2C40]  }
0xdc: {  	s17 =	sadd.s32 $0x80, s17;
	s18 =	sadd.s32 $0x100, s18;
	[tilespmem:s16+$0x2860] =	vst v20;
	v15 =	vadd.bf16 v18, v14;
	v14 =	vld [tilespmem:s16+$0x2C50]  }
0xdd: {  	[tilespmem:s16+$0x2870] =	vst v16;
	v9 =	vadd.bf16 v9, v13;
	v62 =	vld [tilespmem:s16+$0x2C60]  }
0xde: {  	v63 =	vld [tilespmem:s16+$0x2C70];
	[tilespmem:s16+$0x2C00] =	vst v15;
	v8 =	vadd.bf16 v8, v12  }
0xdf: {  	[tilespmem:s16+$0x2C10] =	vst v9;
	v7 =	vadd.bf16 v7, v10  }
0xe0: {  	[tilespmem:s16+$0x2C20] =	vst v8;
	v6 =	vadd.bf16 v6, v11  }
0xe1: {  	[tilespmem:s16+$0x2C30] =	vst v7;
	v5 =	vadd.bf16 v5, v14  }
0xe2: {  	[tilespmem:s16+$0x2C40] =	vst v6;
	v4 =	vadd.bf16 v4, v62  }
0xe3: {  	s15 =	sadd.s32 s5, s15;
	s14 =	sadd.s32 $0x1, s14;
	v3 =	vadd.bf16 v3, v63;
	[tilespmem:s16+$0x2C50] =	vst v5  }
0xe4: {  	s15 =	sshll.u32 s15, $0x5;
	p0 =	sne.s32 s14, $0x34;
	[tilespmem:s16+$0x2C60] =	vst v4  }
.Ltmp1:
0xe5: {  	s15 =	sadd.s32 s6, s15;
	[tilespmem:s16+$0x2C70] =	vst v3;
	(pc) =	sbr.rel @p0 .LBB2_2-.Ltmp1, $4  }
0xe6: {  	[hbm4b:s15+s4] =	stream.linear.scatter [tilespmem:s13], [sflag:$0x2], $0x6000, $0x38;
	[tilespmem:$0xE800] =	vst v63  }
0xe7: {  	_ =	swait.ge [sflag:s11], $0x6000  }
0xe8: {  	[sflag:s11] =	ssyncset.done $0x0  }
0xe9: {  	[sflag:s11] =	ssyncadd.s32 $0xFFFFA000  }
0xea: {  	v3 =	vld.msk [tilespmem:$0x1380], $0xff;
	_ =	sdelay $0x4  }
0xeb: {  	v4 =	vshll.u32 v3, $0x1  }
0xec: {  	v3 =	vand.u32 $0x7, v3;
	v4 =	vand.u32 $0xFFFFFFF0, v4  }
0xed: {  	v3 =	vor.u32 v3, v4  }
0xee: {  	v3 =	vperm.xlane v3, v0;
	_ =	sdelay $0x1  }
0xef: {  	v3 =	vadd.s32 v1, v3;
	_ =	sdelay $0x3  }
0xf0: {  	s14 =	simm.s32 $0x0  }
0xf1: {  	[tilespmem:s13], [sflag:$0x1] =	stream.indirect_vreg.gather [hbm4b:s1+s14], $0x80, v3, vm0, $0xb8;
	[tilespmem:$0xE800] =	vst v63  }
0xf2: {  	v3 =	vld.msk [tilespmem:$0x2780], $0xff;
	_ =	sdelay $0x4  }
0xf3: {  	v4 =	vshll.u32 v3, $0x1  }
0xf4: {  	v3 =	vand.u32 $0x7, v3;
	v4 =	vand.u32 $0xFFFFFFF0, v4  }
0xf5: {  	v3 =	vor.u32 v3, v4  }
0xf6: {  	v3 =	vperm.xlane v3, v0;
	_ =	sdelay $0x1  }
0xf7: {  	v3 =	vadd.s32 v1, v3;
	_ =	sdelay $0x4  }
0xf8: {  	[tilespmem:s25], [sflag:$0x1] =	stream.indirect_vreg.gather [hbm4b:s3+s14], $0x80, v3, vm0, $0xb8;
	[tilespmem:$0xE800] =	vst v63  }
0xf9: {  	_ =	swait.ge [sflag:s10], $0x800  }
0xfa: {  	[sflag:s10] =	ssyncset.done $0x0  }
0xfb: {  	[sflag:s10] =	ssyncadd.s32 $0xFFFFF800  }
0xfc: {  	_ =	swait.ge [sflag:s10], $0x800  }
0xfd: {  	[sflag:s10] =	ssyncset.done $0x0  }
0xfe: {  	s14 =	simm.s32 $0x0;
	[sflag:s10] =	ssyncadd.s32 $0xFFFFF800  }
0xff: {  	v9 =	vld [tilespmem:s14+$0x8800]  }
0x100: {  	v10 =	vld [tilespmem:s14+$0x8810]  }
0x101: {  	v11 =	vld [tilespmem:s14+$0x8820]  }
0x102: {  	v12 =	vld [tilespmem:s14+$0x8830]  }
0x103: {  	v13 =	vld [tilespmem:s14+$0x8840]  }
0x104: {  	v14 =	vld [tilespmem:s14+$0x8850]  }
0x105: {  	v15 =	vld [tilespmem:s14+$0x8860]  }
0x106: {  	v16 =	vld [tilespmem:s14+$0x8870]  }
0x107: {  	v17 =	vld [tilespmem:s14+$0x8C00]  }
0x108: {  	v18 =	vld [tilespmem:s14+$0x8C10]  }
0x109: {  	v8 =	vld [tilespmem:s14+$0x8C20]  }
0x10a: {  	v7 =	vld [tilespmem:s14+$0x8C30]  }
0x10b: {  	v6 =	vld [tilespmem:s14+$0x8C40]  }
0x10c: {  	v5 =	vld [tilespmem:s14+$0x8C50]  }
0x10d: {  	v4 =	vld [tilespmem:s14+$0x8C60]  }
0x10e: {  	v3 =	vld [tilespmem:s14+$0x8C70]  }
0x10f: {  	v19 =	vld [tilespmem:s14+$0x2800]  }
0x110: {  	v20 =	vld [tilespmem:s14+$0x2810]  }
0x111: {  	v21 =	vld [tilespmem:s14+$0x2820]  }
0x112: {  	v22 =	vld [tilespmem:s14+$0x2830]  }
0x113: {  	v23 =	vld [tilespmem:s14+$0x2840]  }
0x114: {  	v60 =	vld [tilespmem:s14+$0x2850];
	v9 =	vadd.bf16 v9, v19  }
0x115: {  	v24 =	vld [tilespmem:s14+$0x2860];
	v10 =	vadd.bf16 v10, v20  }
0x116: {  	v61 =	vld [tilespmem:s14+$0x2870];
	[tilespmem:s14+$0x2800] =	vst v9;
	v9 =	vadd.bf16 v11, v21  }
0x117: {  	v62 =	vld [tilespmem:s14+$0x2C00];
	[tilespmem:s14+$0x2810] =	vst v10;
	v10 =	vadd.bf16 v12, v22  }
0x118: {  	v63 =	vld [tilespmem:s14+$0x2C10];
	[tilespmem:s14+$0x2820] =	vst v9;
	v9 =	vadd.bf16 v13, v23  }
0x119: {  	v11 =	vadd.bf16 v14, v60;
	[tilespmem:s14+$0x2830] =	vst v10;
	v10 =	vld [tilespmem:s14+$0x2C20]  }
0x11a: {  	v12 =	vadd.bf16 v15, v24;
	[tilespmem:s14+$0x2840] =	vst v9;
	v9 =	vld [tilespmem:s14+$0x2C30]  }
0x11b: {  	[tilespmem:s14+$0x2850] =	vst v11;
	v11 =	vld [tilespmem:s14+$0x2C40];
	v13 =	vadd.bf16 v16, v61  }
0x11c: {  	v15 =	vadd.bf16 v17, v62;
	[tilespmem:s14+$0x2860] =	vst v12;
	v12 =	vld [tilespmem:s14+$0x2C50]  }
0x11d: {  	s15 =	simm.s32 $0x200;
	v14 =	vadd.bf16 v18, v63;
	[tilespmem:s14+$0x2870] =	vst v13;
	v13 =	vld [tilespmem:s14+$0x2C60]  }
.LBB2_6:
0x11e: {  	s16 =	sshra.s32 s15, $0x2;
	p0 =	sne.s32 s15, $0xE00;
	[tilespmem:s14+$0x2C00] =	vst v15;
	v8 =	vadd.bf16 v8, v10;
	v10 =	vld [tilespmem:s14+$0x2C70]  }
0x11f: {  	v15 =	vld [tilespmem:s16+$0x8800];
	[tilespmem:s14+$0x2C10] =	vst v14;
	v7 =	vadd.bf16 v7, v9  }
0x120: {  	v9 =	vld [tilespmem:s16+$0x8810];
	[tilespmem:s14+$0x2C20] =	vst v8;
	v6 =	vadd.bf16 v6, v11  }
0x121: {  	v11 =	vld [tilespmem:s16+$0x8820];
	[tilespmem:s14+$0x2C30] =	vst v7;
	v5 =	vadd.bf16 v5, v12  }
0x122: {  	v12 =	vld [tilespmem:s16+$0x8830];
	[tilespmem:s14+$0x2C40] =	vst v6;
	v4 =	vadd.bf16 v4, v13  }
0x123: {  	v13 =	vld [tilespmem:s16+$0x8840];
	[tilespmem:s14+$0x2C50] =	vst v5;
	v3 =	vadd.bf16 v3, v10  }
0x124: {  	v10 =	vld [tilespmem:s16+$0x8850];
	[tilespmem:s14+$0x2C60] =	vst v4  }
0x125: {  	v14 =	vld [tilespmem:s16+$0x8860];
	[tilespmem:s14+$0x2C70] =	vst v3;
	s14 =	smov.u32 s16  }
0x126: {  	v16 =	vld [tilespmem:s14+$0x8870]  }
0x127: {  	v17 =	vld [tilespmem:s14+$0x8C00]  }
0x128: {  	v18 =	vld [tilespmem:s14+$0x8C10]  }
0x129: {  	v8 =	vld [tilespmem:s14+$0x8C20]  }
0x12a: {  	v7 =	vld [tilespmem:s14+$0x8C30]  }
0x12b: {  	v6 =	vld [tilespmem:s14+$0x8C40]  }
0x12c: {  	v5 =	vld [tilespmem:s14+$0x8C50]  }
0x12d: {  	v4 =	vld [tilespmem:s14+$0x8C60]  }
0x12e: {  	v3 =	vld [tilespmem:s14+$0x8C70]  }
0x12f: {  	v19 =	vld [tilespmem:s14+$0x2800]  }
0x130: {  	v20 =	vld [tilespmem:s14+$0x2810]  }
0x131: {  	v21 =	vld [tilespmem:s14+$0x2820]  }
0x132: {  	v22 =	vld [tilespmem:s14+$0x2830]  }
0x133: {  	v23 =	vld [tilespmem:s14+$0x2840]  }
0x134: {  	v15 =	vadd.bf16 v15, v19;
	v19 =	vld [tilespmem:s14+$0x2850]  }
0x135: {  	v9 =	vadd.bf16 v9, v20;
	v20 =	vld [tilespmem:s14+$0x2860]  }
0x136: {  	[tilespmem:s14+$0x2800] =	vst v15;
	v11 =	vadd.bf16 v11, v21;
	v15 =	vld [tilespmem:s14+$0x2870]  }
0x137: {  	[tilespmem:s14+$0x2810] =	vst v9;
	v9 =	vadd.bf16 v12, v22;
	v12 =	vld [tilespmem:s14+$0x2C00]  }
0x138: {  	[tilespmem:s14+$0x2820] =	vst v11;
	v11 =	vadd.bf16 v13, v23;
	v13 =	vld [tilespmem:s14+$0x2C10]  }
.Ltmp2:
0x139: {  	[tilespmem:s14+$0x2830] =	vst v9;
	v19 =	vadd.bf16 v10, v19;
	v10 =	vld [tilespmem:s14+$0x2C20];
	(pc) =	sbr.rel @p0 .LBB2_6-.Ltmp2, $4  }
0x13a: {  	[tilespmem:s14+$0x2840] =	vst v11;
	v14 =	vadd.bf16 v14, v20;
	v9 =	vld [tilespmem:s14+$0x2C30]  }
0x13b: {  	[tilespmem:s14+$0x2850] =	vst v19;
	v16 =	vadd.bf16 v16, v15;
	v11 =	vld [tilespmem:s14+$0x2C40]  }
0x13c: {  	[tilespmem:s14+$0x2860] =	vst v14;
	v15 =	vadd.bf16 v17, v12;
	v12 =	vld [tilespmem:s14+$0x2C50]  }
0x13d: {  	s15 =	sadd.s32 $0x200, s15;
	[tilespmem:s14+$0x2870] =	vst v16;
	v14 =	vadd.bf16 v18, v13;
	v13 =	vld [tilespmem:s14+$0x2C60]  }
0x13e: {  	[tilespmem:s14+$0x2C00] =	vst v15;
	v8 =	vadd.bf16 v8, v10;
	v63 =	vld [tilespmem:s14+$0x2C70]  }
0x13f: {  	[tilespmem:s14+$0x2C10] =	vst v14;
	v7 =	vadd.bf16 v7, v9  }
0x140: {  	[tilespmem:s14+$0x2C20] =	vst v8;
	v6 =	vadd.bf16 v6, v11  }
0x141: {  	[tilespmem:s14+$0x2C30] =	vst v7;
	v5 =	vadd.bf16 v5, v12  }
0x142: {  	[tilespmem:s14+$0x2C40] =	vst v6;
	v4 =	vadd.bf16 v4, v13  }
0x143: {  	[tilespmem:s14+$0x2C50] =	vst v5;
	v3 =	vadd.bf16 v3, v63  }
0x144: {  	[tilespmem:s14+$0x2C60] =	vst v4  }
0x145: {  	s19 =	rddreg [dreg:$0x6];
	[tilespmem:s14+$0x2C70] =	vst v3  }
0x146: {  	[hbm4b:s19+s4] =	stream.linear.scatter [tilespmem:s13], [sflag:$0x2], $0x800, $0x38;
	[tilespmem:$0xE800] =	vst v63  }
0x147: {  	_ =	swait.ge [sflag:s11], $0x800  }
0x148: {  	s15 =	rddreg [dreg:$0x8]  }
0x149: {  	s20 =	rddreg [dreg:$0x7];
	s15 =	sadd.s32 $0x1, s15  }
0x14a: {  	p0 =	sne.s32 s15, s20  }
.Ltmp3:
0x14b: {  	_ = 	snop;
	(pc) =	sbr.rel @p0 .LBB2_1-.Ltmp3, $3  }
0x14c: {  	_ =	sdelay $0x1  }
0x14d: {  	[sflag:s11] =	ssyncset.done $0x0  }
0x14e: {  	[sflag:s11] =	ssyncadd.s32 $0xFFFFF800  }
0x14f: {  	_ =	sfence.sel $0x180000  }
0x150: {  	[bflag:$0x0] =	sbarrier.arrive $0xFFFF  }
0x151: {  	_ =	strace $0x90000047  }
0x152: {  	s0 =	stileid.u32;
	[bflag:$0x2] =	sbarrier.arrive $0xFFFF  }
0x153: {  	p0 =	sne.s32 s0, $0x0;
	s0 =	rddreg [dreg:$0x3]  }
0x154: {  	s0 =	sadd.s32 @!p0 $0x100000, s0  }
0x155: {  	[sflag:s0] =	ssyncadd.tile.s32 @!p0 $0x1;
	_ =	shalt  }
.Lfunc_end2:
_tile_overlayer_lowered:
.L_overlay_start_2:
0x156: {  	(tag) =	ssettag $0x2  }
0x157: {  	s0 =	rddreg [dreg:$0x0];
	s2 =	stileid.u32  }
0x158: {  	s1 =	rddreg [dreg:$0x1];
	p0 =	sne.s32 s2, $0x0  }
0x159: {  	s3 =	rddreg [dreg:$0x2];
	[bflag:$0x3] =	sbarrier.arrive $0xFFFF;
	s2 =	simm.s32 @!p0 $0x1C02  }
0x15a: {  	[timem:s3], [sflag:s2] =	dma.local @!p0 [hbm:s0], s1  }
0x15b: {  	s0 =	simm.s32 @!p0 $0x2  }
0x15c: {  	_ =	swait.ge @!p0 [sflag:s0], s1  }
0x15d: {  	s1 =	ssub.s32 @!p0 $0x0, s1;
	[sflag:s0] =	ssyncset.done @!p0 $0x0  }
0x15e: {  	[sflag:s0] =	ssyncadd.s32 @!p0 s1  }
0x15f: {  	[bflag:$0x3] =	sbarrier.arrive $0xFFFF  }
0x160: {  	_ =	shalt  }

</sc_bundles>
